<compile_context>
chip_gen: v7x
topology: tpu7x:2x2x1
jax: 0.10.2.dev20260603
libtpu: 0.0.44.dev20260713+nightly
codegen_flags: <defaults>
</compile_context>

<pallas_src>
import jax
import jax.numpy as jnp
from jax import lax
from jax.experimental import pallas as pl
from jax.experimental.pallas import tpu as pltpu
from jax.experimental.pallas import tpu_sc as plsc

NC, NS, LANES = 2, 16, 16
NW = NC * NS

MAGIC = 12582912.0
MAGIC16 = 49152.0
TPAD = 4160

ROWS = 4 * 4096
COLS = 2048
PER_W_ROWS = ROWS // NW
CHUNK_ROWS = 8
N_CHUNKS = PER_W_ROWS // CHUNK_ROWS
VREGS_PER_ROW = COLS // LANES


def _compute_chunk(xbuf, ybuf, table_v):
    @plsc.parallel_loop(0, CHUNK_ROWS * VREGS_PER_ROW, unroll=8)
    def _vreg(i):
            r = (i >> 3) & (CHUNK_ROWS - 1)
            col = ((i >> 6) << 7) + ((i & 7) << 4)
            xv = xbuf[r, pl.ds(col, LANES)]
            a = xv * 256.0 + MAGIC
            c = jnp.maximum(jnp.minimum(a, MAGIC + 32767.0), MAGIC - 32768.0)
            xq = c - MAGIC
            e = jnp.maximum(jnp.minimum(c, MAGIC + 2048.0), MAGIC - 2048.0)
            idx = (e - (MAGIC - 2048.0)).astype(jnp.int32)
            sv = plsc.load_gather(table_v, [idx])
            p = xq * sv
            ybuf[r, pl.ds(col, LANES)] = (p + MAGIC16) - MAGIC16


def _sc_body(x_hbm, table_hbm, out_hbm,
             table_v, xb0, xb1, yb0, yb1, si0, si1, so0, so1):
    wid = lax.axis_index("s") * NC + lax.axis_index("c")
    pltpu.sync_copy(table_hbm, table_v)
    base = wid * PER_W_ROWS
    xbufs, ybufs = (xb0, xb1), (yb0, yb1)
    sins, souts = (si0, si1), (so0, so1)

    pltpu.async_copy(x_hbm.at[pl.ds(base, CHUNK_ROWS), :], xb0, si0)
    pltpu.async_copy(x_hbm.at[pl.ds(base + CHUNK_ROWS, CHUNK_ROWS), :], xb1, si1)

    @pl.loop(0, N_CHUNKS, step=2)
    def _outer(g0):
        for b in range(2):
            c = g0 + b
            off = base + c * CHUNK_ROWS
            pltpu.make_async_copy(
                x_hbm.at[pl.ds(off, CHUNK_ROWS), :], xbufs[b], sins[b]).wait()

            @pl.when(c >= 2)
            def _():
                pltpu.make_async_copy(
                    ybufs[b], out_hbm.at[pl.ds(off, CHUNK_ROWS), :],
                    souts[b]).wait()

            _compute_chunk(xbufs[b], ybufs[b], table_v)
            pltpu.async_copy(ybufs[b], out_hbm.at[pl.ds(off, CHUNK_ROWS), :],
                             souts[b])

            @pl.when(c + 2 < N_CHUNKS)
            def _():
                pltpu.async_copy(
                    x_hbm.at[pl.ds(off + 2 * CHUNK_ROWS, CHUNK_ROWS), :],
                    xbufs[b], sins[b])

    for b in range(2):
        pltpu.make_async_copy(
            ybufs[b], out_hbm.at[pl.ds(base, CHUNK_ROWS), :], souts[b]).wait()


def kernel(x, table):
    b, s, d = x.shape
    x2 = x.reshape(b * s, d)
    tf = (table.astype(jnp.float32) * (1.0 / 65536.0))
    tf = jnp.pad(tf, (0, TPAD - tf.shape[0]))
    mesh = plsc.VectorSubcoreMesh(core_axis_name="c", subcore_axis_name="s")
    run = pl.kernel(
        _sc_body,
        out_type=jax.ShapeDtypeStruct((b * s, d), jnp.float32),
        mesh=mesh,
        compiler_params=pltpu.CompilerParams(
            needs_layout_passes=False,
            use_tc_tiling_on_sc=True,
        ),
        scratch_types=[
            pltpu.VMEM((TPAD,), jnp.float32),
            pltpu.VMEM((CHUNK_ROWS, COLS), jnp.float32),
            pltpu.VMEM((CHUNK_ROWS, COLS), jnp.float32),
            pltpu.VMEM((CHUNK_ROWS, COLS), jnp.float32),
            pltpu.VMEM((CHUNK_ROWS, COLS), jnp.float32),
            pltpu.SemaphoreType.DMA,
            pltpu.SemaphoreType.DMA,
            pltpu.SemaphoreType.DMA,
            pltpu.SemaphoreType.DMA,
        ],
    )
    return run(x2, tf).reshape(b, s, d)

# --- scband reference (transcript-rebuilt; emitter-appended) ---
"""Pipeline reference for scband-int16-si-lulut-30983894073633 (READ-ONLY COPY).

The authoritative reference and input builder live on the scoring server;
editing this copy changes nothing except your own understanding.
"""

import jax, jax.numpy as jnp
import numpy as np

X_MIN = -8.0
X_MAX = 8.0


def _to_q88(x):
    t = jnp.round(x * 256.0)
    t = jnp.clip(t, -32768.0, 32767.0)
    return t.astype(jnp.int16)


def _build_table():
    n = int(round((X_MAX - X_MIN) * 256))
    xs = jnp.linspace(X_MIN, X_MAX, n + 1, dtype=jnp.float32)
    ys = jax.nn.sigmoid(xs)
    return _to_q88(ys)


def _rne_rshift(x, shift=8):
    # round-to-nearest-even right shift on signed integers (Q8.8 -> Q8.8 after product)
    sgn = jnp.where(x < 0, -1, 1)
    mag = jnp.where(x < 0, -x, x)
    q = mag >> shift
    r = mag & ((1 << shift) - 1)
    half = 1 << (shift - 1)
    tie = r == half
    gt = r > half
    inc = jnp.where(gt | (tie & ((q & 1) == 1)), 1, 0)
    q = q + inc
    return jnp.where(sgn < 0, -q, q)


def setup_inputs(seed: int = 0) -> dict:
    key = jax.random.key(seed)
    x = jax.random.normal(key, (4, 4096, 2048), dtype=jnp.float32)
    table = _build_table()  # int16[4097] Q8.8 sigmoid LUT (constant, derived from init kwargs)
    return {"x": x, "table": table}


def reference(x, table):
    # quantize input to Q8.8 int16
    x_q = _to_q88(x)
    # LUT lookup of sigmoid(x)
    x_f = x_q.astype(jnp.float32) / 256.0
    x_c = jnp.clip(x_f, X_MIN, X_MAX)
    idx = jnp.round((x_c - X_MIN) * 256.0).astype(jnp.int32)
    s_q = jnp.take(table, idx)
    # SiLU = x * sigmoid(x) in fixed point: Q8.8 * Q8.8 -> Q16.16, RNE shift back to Q8.8
    prod = x_q.astype(jnp.int32) * s_q.astype(jnp.int32)
    y_q = _rne_rshift(prod, 8).astype(jnp.int16)
    return y_q.astype(jnp.float32) / 256.0

if __name__ == "__main__":
    import jax
    _d = setup_inputs()
    print(jax.jit(kernel)(*tuple(_d.values())))

</pallas_src>

<mosaic_0001>
#map = affine_map<(d0, d1) -> (0, 0)>
#map1 = affine_map<(d0, d1) -> (0)>
module attributes {stable_mosaic.version = 14 : i64} {
  func.func @_sc_body(%arg0: i32, %arg1: i32, %arg2: memref<16384x2048xf32, #tpu.memory_space<hbm>>, %arg3: memref<4160xf32, #tpu.memory_space<hbm>>, %arg4: memref<16384x2048xf32, #tpu.memory_space<hbm>>, %arg5: memref<4160xf32, #tpu.memory_space<vmem>>, %arg6: memref<8x2048xf32, #tpu.memory_space<vmem>>, %arg7: memref<8x2048xf32, #tpu.memory_space<vmem>>, %arg8: memref<8x2048xf32, #tpu.memory_space<vmem>>, %arg9: memref<8x2048xf32, #tpu.memory_space<vmem>>, %arg10: memref<!tpu.dma_semaphore, #tpu.memory_space<semaphore_mem>>, %arg11: memref<!tpu.dma_semaphore, #tpu.memory_space<semaphore_mem>>, %arg12: memref<!tpu.dma_semaphore, #tpu.memory_space<semaphore_mem>>, %arg13: memref<!tpu.dma_semaphore, #tpu.memory_space<semaphore_mem>>) attributes {dimension_semantics = [#tpu.dimension_semantics<core_parallel>, #tpu.dimension_semantics<subcore_parallel>], iteration_bounds = array<i64: 2, 16>, scalar_prefetch = 0 : i64, scratch_operands = 9 : i64, tpu.core_type = #tpu.core_type<sc_vector_subcore>, window_params = [{transform_indices = #map}, {transform_indices = #map1}, {transform_indices = #map}]} {
    %mul3A = arith.constant 2 : i32
    %mul3A_0 = arith.muli %arg1, %mul3A : i32
    %add3A = arith.addi %mul3A_0, %arg0 : i32
    "tpu.region"() ({
      %run_scoped3A = tpu.sem_alloc : memref<!tpu.dma_semaphore, #tpu.memory_space<semaphore_mem>>
      tpu.enqueue_dma source(%arg3 : memref<4160xf32, #tpu.memory_space<hbm>>) target(%arg5 : memref<4160xf32, #tpu.memory_space<vmem>>) target_semaphore(%run_scoped3A : memref<!tpu.dma_semaphore, #tpu.memory_space<semaphore_mem>>)
      tpu.wait_dma2 semaphore(%run_scoped3A : memref<!tpu.dma_semaphore, #tpu.memory_space<semaphore_mem>>) src(%arg3 : memref<4160xf32, #tpu.memory_space<hbm>>) dst(%arg5 : memref<4160xf32, #tpu.memory_space<vmem>>)
      tpu.yield
    }) : () -> ()
    %mul3A_1 = arith.constant 512 : i32
    %mul3A_2 = arith.muli %add3A, %mul3A_1 : i32
    %dma_start3A = arith.constant 0 : i32
    %dma_start3A_3 = tpu.memref_slice %arg2[%mul3A_2, %dma_start3A] : memref<16384x2048xf32, #tpu.memory_space<hbm>> -> memref<8x2048xf32, #tpu.memory_space<hbm>>
    %dma_start3A_4 = arith.constant 0 : i32
    %dma_start3A_5 = tpu.memref_slice %arg2[%mul3A_2, %dma_start3A_4] : memref<16384x2048xf32, #tpu.memory_space<hbm>> -> memref<8x2048xf32, #tpu.memory_space<hbm>>
    tpu.enqueue_dma source(%dma_start3A_5 : memref<8x2048xf32, #tpu.memory_space<hbm>>) target(%arg6 : memref<8x2048xf32, #tpu.memory_space<vmem>>) target_semaphore(%arg10 : memref<!tpu.dma_semaphore, #tpu.memory_space<semaphore_mem>>)
    %add3A_6 = arith.constant 8 : i32
    %add3A_7 = arith.addi %mul3A_2, %add3A_6 : i32
    %dma_start3A_8 = arith.constant 0 : i32
    %dma_start3A_9 = tpu.memref_slice %arg2[%add3A_7, %dma_start3A_8] : memref<16384x2048xf32, #tpu.memory_space<hbm>> -> memref<8x2048xf32, #tpu.memory_space<hbm>>
    %dma_start3A_10 = arith.constant 0 : i32
    %dma_start3A_11 = tpu.memref_slice %arg2[%add3A_7, %dma_start3A_10] : memref<16384x2048xf32, #tpu.memory_space<hbm>> -> memref<8x2048xf32, #tpu.memory_space<hbm>>
    tpu.enqueue_dma source(%dma_start3A_11 : memref<8x2048xf32, #tpu.memory_space<hbm>>) target(%arg7 : memref<8x2048xf32, #tpu.memory_space<vmem>>) target_semaphore(%arg11 : memref<!tpu.dma_semaphore, #tpu.memory_space<semaphore_mem>>)
    %scan3A = arith.constant 0 : i32
    %scan3A_12 = arith.constant 32 : i32
    %scan3A_13 = arith.addi %scan3A, %scan3A_12 : i32
    %scan3A_14 = arith.constant 1 : i32
    scf.for %scan3A_23 = %scan3A to %scan3A_13 step %scan3A_14  : i32 {
      %mul3A_24 = arith.constant 2 : i32
      %mul3A_25 = arith.muli %scan3A_23, %mul3A_24 : i32
      %add3A_26 = arith.constant 0 : i32
      %add3A_27 = arith.addi %add3A_26, %mul3A_25 : i32
      %add3A_28 = arith.constant 0 : i32
      %add3A_29 = arith.addi %add3A_27, %add3A_28 : i32
      %mul3A_30 = arith.constant 8 : i32
      %mul3A_31 = arith.muli %add3A_29, %mul3A_30 : i32
      %add3A_32 = arith.addi %mul3A_2, %mul3A_31 : i32
      %dma_wait3A_33 = arith.constant 0 : i32
      %dma_wait3A_34 = tpu.memref_slice %arg2[%add3A_32, %dma_wait3A_33] : memref<16384x2048xf32, #tpu.memory_space<hbm>> -> memref<8x2048xf32, #tpu.memory_space<hbm>>
      %dma_wait3A_35 = arith.constant 0 : i32
      %dma_wait3A_36 = tpu.memref_slice %arg2[%add3A_32, %dma_wait3A_35] : memref<16384x2048xf32, #tpu.memory_space<hbm>> -> memref<8x2048xf32, #tpu.memory_space<hbm>>
      tpu.wait_dma2 semaphore(%arg10 : memref<!tpu.dma_semaphore, #tpu.memory_space<semaphore_mem>>) src(%dma_wait3A_36 : memref<8x2048xf32, #tpu.memory_space<hbm>>) dst(%arg6 : memref<8x2048xf32, #tpu.memory_space<vmem>>)
      %ge3A = arith.constant 2 : i32
      %ge3A_37 = arith.cmpi sge, %add3A_29, %ge3A : i32
      %convert_element_type3A = arith.extui %ge3A_37 : i1 to i32
      %cond3A = arith.constant 0 : i32
      %cond3A_38 = arith.cmpi ne, %convert_element_type3A, %cond3A : i32
      scf.if %cond3A_38 {
        %dma_wait3A_79 = arith.constant 0 : i32
        %dma_wait3A_80 = tpu.memref_slice %arg4[%add3A_32, %dma_wait3A_79] : memref<16384x2048xf32, #tpu.memory_space<hbm>> -> memref<8x2048xf32, #tpu.memory_space<hbm>>
        %dma_wait3A_81 = arith.constant 0 : i32
        %dma_wait3A_82 = tpu.memref_slice %arg4[%add3A_32, %dma_wait3A_81] : memref<16384x2048xf32, #tpu.memory_space<hbm>> -> memref<8x2048xf32, #tpu.memory_space<hbm>>
        tpu.wait_dma2 semaphore(%arg12 : memref<!tpu.dma_semaphore, #tpu.memory_space<semaphore_mem>>) src(%arg8 : memref<8x2048xf32, #tpu.memory_space<vmem>>) dst(%dma_wait3A_82 : memref<8x2048xf32, #tpu.memory_space<hbm>>)
      } else {
      }
      %parallel_loop3A = arith.constant 0 : i32
      %parallel_loop3A_39 = arith.constant 1024 : i32
      %parallel_loop3A_40 = arith.constant 1 : i32
      scf.for %parallel_loop3A_79 = %parallel_loop3A to %parallel_loop3A_39 step %parallel_loop3A_40  : i32 {
        %parallel_loop3A_80 = arith.constant 3 : i32
        %parallel_loop3A_81 = arith.shrsi %parallel_loop3A_79, %parallel_loop3A_80 : i32
        %parallel_loop3A_82 = arith.constant 7 : i32
        %parallel_loop3A_83 = arith.andi %parallel_loop3A_81, %parallel_loop3A_82 : i32
        %parallel_loop3A_84 = arith.constant 6 : i32
        %parallel_loop3A_85 = arith.shrsi %parallel_loop3A_79, %parallel_loop3A_84 : i32
        %parallel_loop3A_86 = arith.constant 7 : i32
        %parallel_loop3A_87 = arith.shli %parallel_loop3A_85, %parallel_loop3A_86 : i32
        %parallel_loop3A_88 = arith.constant 7 : i32
        %parallel_loop3A_89 = arith.andi %parallel_loop3A_79, %parallel_loop3A_88 : i32
        %parallel_loop3A_90 = arith.constant 4 : i32
        %parallel_loop3A_91 = arith.shli %parallel_loop3A_89, %parallel_loop3A_90 : i32
        %parallel_loop3A_92 = arith.addi %parallel_loop3A_87, %parallel_loop3A_91 : i32
        %parallel_loop3A_93 = arith.index_cast %parallel_loop3A_83 : i32 to index
        %parallel_loop3A_94 = arith.index_cast %parallel_loop3A_92 : i32 to index
        %parallel_loop3A_95 = tpu.vector_load %arg6[%parallel_loop3A_93, %parallel_loop3A_94] {strides = array<i32>} : memref<8x2048xf32, #tpu.memory_space<vmem>>, vector<16xf32>,
        %parallel_loop3A_96 = arith.constant 2.560000e+02 : f32
        %parallel_loop3A_97 = vector.broadcast %parallel_loop3A_96 : f32 to vector<16xf32>
        %parallel_loop3A_98 = arith.mulf %parallel_loop3A_95, %parallel_loop3A_97 : vector<16xf32>
        %parallel_loop3A_99 = arith.constant 0x4B400000 : f32
        %parallel_loop3A_100 = vector.broadcast %parallel_loop3A_99 : f32 to vector<16xf32>
        %parallel_loop3A_101 = arith.addf %parallel_loop3A_98, %parallel_loop3A_100 : vector<16xf32>
        %parallel_loop3A_102 = arith.constant 0x4B407FFF : f32
        %parallel_loop3A_103 = vector.broadcast %parallel_loop3A_102 : f32 to vector<16xf32>
        %parallel_loop3A_104 = arith.minimumf %parallel_loop3A_101, %parallel_loop3A_103 : vector<16xf32>
        %parallel_loop3A_105 = arith.constant 0x4B3F8000 : f32
        %parallel_loop3A_106 = vector.broadcast %parallel_loop3A_105 : f32 to vector<16xf32>
        %parallel_loop3A_107 = arith.maximumf %parallel_loop3A_104, %parallel_loop3A_106 : vector<16xf32>
        %parallel_loop3A_108 = arith.constant 0x4B400000 : f32
        %parallel_loop3A_109 = vector.broadcast %parallel_loop3A_108 : f32 to vector<16xf32>
        %parallel_loop3A_110 = arith.subf %parallel_loop3A_107, %parallel_loop3A_109 : vector<16xf32>
        %parallel_loop3A_111 = arith.constant 0x4B400800 : f32
        %parallel_loop3A_112 = vector.broadcast %parallel_loop3A_111 : f32 to vector<16xf32>
        %parallel_loop3A_113 = arith.minimumf %parallel_loop3A_107, %parallel_loop3A_112 : vector<16xf32>
        %parallel_loop3A_114 = arith.constant 0x4B3FF800 : f32
        %parallel_loop3A_115 = vector.broadcast %parallel_loop3A_114 : f32 to vector<16xf32>
        %parallel_loop3A_116 = arith.maximumf %parallel_loop3A_113, %parallel_loop3A_115 : vector<16xf32>
        %parallel_loop3A_117 = arith.constant 0x4B3FF800 : f32
        %parallel_loop3A_118 = vector.broadcast %parallel_loop3A_117 : f32 to vector<16xf32>
        %parallel_loop3A_119 = arith.subf %parallel_loop3A_116, %parallel_loop3A_118 : vector<16xf32>
        %parallel_loop3A_120 = arith.fptosi %parallel_loop3A_119 : vector<16xf32> to vector<16xi32>
        %parallel_loop3A_121 = tpu.vector_load_idx %arg5[%parallel_loop3A_120] : memref<4160xf32, #tpu.memory_space<vmem>>[vector<16xi32>], vector<16xf32>,
        %parallel_loop3A_122 = arith.mulf %parallel_loop3A_110, %parallel_loop3A_121 : vector<16xf32>
        %parallel_loop3A_123 = arith.constant 4.915200e+04 : f32
        %parallel_loop3A_124 = vector.broadcast %parallel_loop3A_123 : f32 to vector<16xf32>
        %parallel_loop3A_125 = arith.addf %parallel_loop3A_122, %parallel_loop3A_124 : vector<16xf32>
        %parallel_loop3A_126 = arith.constant 4.915200e+04 : f32
        %parallel_loop3A_127 = vector.broadcast %parallel_loop3A_126 : f32 to vector<16xf32>
        %parallel_loop3A_128 = arith.subf %parallel_loop3A_125, %parallel_loop3A_127 : vector<16xf32>
        %parallel_loop3A_129 = arith.index_cast %parallel_loop3A_83 : i32 to index
        %parallel_loop3A_130 = arith.index_cast %parallel_loop3A_92 : i32 to index
        %parallel_loop3A_131 = tpu.vector_load %arg8[%parallel_loop3A_129, %parallel_loop3A_130] {strides = array<i32>} : memref<8x2048xf32, #tpu.memory_space<vmem>>, vector<16xf32>,
        tpu.vector_store %arg8[%parallel_loop3A_129, %parallel_loop3A_130], %parallel_loop3A_128 {strides = array<i32>} : memref<8x2048xf32, #tpu.memory_space<vmem>>, vector<16xf32>,
      } {sc.loop_unroll_factor = 8 : i64, sc.parallel_access}
      %dma_start3A_41 = arith.constant 0 : i32
      %dma_start3A_42 = tpu.memref_slice %arg4[%add3A_32, %dma_start3A_41] : memref<16384x2048xf32, #tpu.memory_space<hbm>> -> memref<8x2048xf32, #tpu.memory_space<hbm>>
      %dma_start3A_43 = arith.constant 0 : i32
      %dma_start3A_44 = tpu.memref_slice %arg4[%add3A_32, %dma_start3A_43] : memref<16384x2048xf32, #tpu.memory_space<hbm>> -> memref<8x2048xf32, #tpu.memory_space<hbm>>
      tpu.enqueue_dma source(%arg8 : memref<8x2048xf32, #tpu.memory_space<vmem>>) target(%dma_start3A_44 : memref<8x2048xf32, #tpu.memory_space<hbm>>) target_semaphore(%arg12 : memref<!tpu.dma_semaphore, #tpu.memory_space<semaphore_mem>>)
      %add3A_45 = arith.constant 2 : i32
      %add3A_46 = arith.addi %add3A_29, %add3A_45 : i32
      %lt3A = arith.constant 64 : i32
      %lt3A_47 = arith.cmpi slt, %add3A_46, %lt3A : i32
      %convert_element_type3A_48 = arith.extui %lt3A_47 : i1 to i32
      %cond3A_49 = arith.constant 0 : i32
      %cond3A_50 = arith.cmpi ne, %convert_element_type3A_48, %cond3A_49 : i32
      scf.if %cond3A_50 {
        %add3A_79 = arith.constant 16 : i32
        %add3A_80 = arith.addi %add3A_32, %add3A_79 : i32
        %dma_start3A_81 = arith.constant 0 : i32
        %dma_start3A_82 = tpu.memref_slice %arg2[%add3A_80, %dma_start3A_81] : memref<16384x2048xf32, #tpu.memory_space<hbm>> -> memref<8x2048xf32, #tpu.memory_space<hbm>>
        %dma_start3A_83 = arith.constant 0 : i32
        %dma_start3A_84 = tpu.memref_slice %arg2[%add3A_80, %dma_start3A_83] : memref<16384x2048xf32, #tpu.memory_space<hbm>> -> memref<8x2048xf32, #tpu.memory_space<hbm>>
        tpu.enqueue_dma source(%dma_start3A_84 : memref<8x2048xf32, #tpu.memory_space<hbm>>) target(%arg6 : memref<8x2048xf32, #tpu.memory_space<vmem>>) target_semaphore(%arg10 : memref<!tpu.dma_semaphore, #tpu.memory_space<semaphore_mem>>)
      } else {
      }
      %add3A_51 = arith.constant 1 : i32
      %add3A_52 = arith.addi %add3A_27, %add3A_51 : i32
      %mul3A_53 = arith.constant 8 : i32
      %mul3A_54 = arith.muli %add3A_52, %mul3A_53 : i32
      %add3A_55 = arith.addi %mul3A_2, %mul3A_54 : i32
      %dma_wait3A_56 = arith.constant 0 : i32
      %dma_wait3A_57 = tpu.memref_slice %arg2[%add3A_55, %dma_wait3A_56] : memref<16384x2048xf32, #tpu.memory_space<hbm>> -> memref<8x2048xf32, #tpu.memory_space<hbm>>
      %dma_wait3A_58 = arith.constant 0 : i32
      %dma_wait3A_59 = tpu.memref_slice %arg2[%add3A_55, %dma_wait3A_58] : memref<16384x2048xf32, #tpu.memory_space<hbm>> -> memref<8x2048xf32, #tpu.memory_space<hbm>>
      tpu.wait_dma2 semaphore(%arg11 : memref<!tpu.dma_semaphore, #tpu.memory_space<semaphore_mem>>) src(%dma_wait3A_59 : memref<8x2048xf32, #tpu.memory_space<hbm>>) dst(%arg7 : memref<8x2048xf32, #tpu.memory_space<vmem>>)
      %ge3A_60 = arith.constant 2 : i32
      %ge3A_61 = arith.cmpi sge, %add3A_52, %ge3A_60 : i32
      %convert_element_type3A_62 = arith.extui %ge3A_61 : i1 to i32
      %cond3A_63 = arith.constant 0 : i32
      %cond3A_64 = arith.cmpi ne, %convert_element_type3A_62, %cond3A_63 : i32
      scf.if %cond3A_64 {
        %dma_wait3A_79 = arith.constant 0 : i32
        %dma_wait3A_80 = tpu.memref_slice %arg4[%add3A_55, %dma_wait3A_79] : memref<16384x2048xf32, #tpu.memory_space<hbm>> -> memref<8x2048xf32, #tpu.memory_space<hbm>>
        %dma_wait3A_81 = arith.constant 0 : i32
        %dma_wait3A_82 = tpu.memref_slice %arg4[%add3A_55, %dma_wait3A_81] : memref<16384x2048xf32, #tpu.memory_space<hbm>> -> memref<8x2048xf32, #tpu.memory_space<hbm>>
        tpu.wait_dma2 semaphore(%arg13 : memref<!tpu.dma_semaphore, #tpu.memory_space<semaphore_mem>>) src(%arg9 : memref<8x2048xf32, #tpu.memory_space<vmem>>) dst(%dma_wait3A_82 : memref<8x2048xf32, #tpu.memory_space<hbm>>)
      } else {
      }
      %parallel_loop3A_65 = arith.constant 0 : i32
      %parallel_loop3A_66 = arith.constant 1024 : i32
      %parallel_loop3A_67 = arith.constant 1 : i32
      scf.for %parallel_loop3A_79 = %parallel_loop3A_65 to %parallel_loop3A_66 step %parallel_loop3A_67  : i32 {
        %parallel_loop3A_80 = arith.constant 3 : i32
        %parallel_loop3A_81 = arith.shrsi %parallel_loop3A_79, %parallel_loop3A_80 : i32
        %parallel_loop3A_82 = arith.constant 7 : i32
        %parallel_loop3A_83 = arith.andi %parallel_loop3A_81, %parallel_loop3A_82 : i32
        %parallel_loop3A_84 = arith.constant 6 : i32
        %parallel_loop3A_85 = arith.shrsi %parallel_loop3A_79, %parallel_loop3A_84 : i32
        %parallel_loop3A_86 = arith.constant 7 : i32
        %parallel_loop3A_87 = arith.shli %parallel_loop3A_85, %parallel_loop3A_86 : i32
        %parallel_loop3A_88 = arith.constant 7 : i32
        %parallel_loop3A_89 = arith.andi %parallel_loop3A_79, %parallel_loop3A_88 : i32
        %parallel_loop3A_90 = arith.constant 4 : i32
        %parallel_loop3A_91 = arith.shli %parallel_loop3A_89, %parallel_loop3A_90 : i32
        %parallel_loop3A_92 = arith.addi %parallel_loop3A_87, %parallel_loop3A_91 : i32
        %parallel_loop3A_93 = arith.index_cast %parallel_loop3A_83 : i32 to index
        %parallel_loop3A_94 = arith.index_cast %parallel_loop3A_92 : i32 to index
        %parallel_loop3A_95 = tpu.vector_load %arg7[%parallel_loop3A_93, %parallel_loop3A_94] {strides = array<i32>} : memref<8x2048xf32, #tpu.memory_space<vmem>>, vector<16xf32>,
        %parallel_loop3A_96 = arith.constant 2.560000e+02 : f32
        %parallel_loop3A_97 = vector.broadcast %parallel_loop3A_96 : f32 to vector<16xf32>
        %parallel_loop3A_98 = arith.mulf %parallel_loop3A_95, %parallel_loop3A_97 : vector<16xf32>
        %parallel_loop3A_99 = arith.constant 0x4B400000 : f32
        %parallel_loop3A_100 = vector.broadcast %parallel_loop3A_99 : f32 to vector<16xf32>
        %parallel_loop3A_101 = arith.addf %parallel_loop3A_98, %parallel_loop3A_100 : vector<16xf32>
        %parallel_loop3A_102 = arith.constant 0x4B407FFF : f32
        %parallel_loop3A_103 = vector.broadcast %parallel_loop3A_102 : f32 to vector<16xf32>
        %parallel_loop3A_104 = arith.minimumf %parallel_loop3A_101, %parallel_loop3A_103 : vector<16xf32>
        %parallel_loop3A_105 = arith.constant 0x4B3F8000 : f32
        %parallel_loop3A_106 = vector.broadcast %parallel_loop3A_105 : f32 to vector<16xf32>
        %parallel_loop3A_107 = arith.maximumf %parallel_loop3A_104, %parallel_loop3A_106 : vector<16xf32>
        %parallel_loop3A_108 = arith.constant 0x4B400000 : f32
        %parallel_loop3A_109 = vector.broadcast %parallel_loop3A_108 : f32 to vector<16xf32>
        %parallel_loop3A_110 = arith.subf %parallel_loop3A_107, %parallel_loop3A_109 : vector<16xf32>
        %parallel_loop3A_111 = arith.constant 0x4B400800 : f32
        %parallel_loop3A_112 = vector.broadcast %parallel_loop3A_111 : f32 to vector<16xf32>
        %parallel_loop3A_113 = arith.minimumf %parallel_loop3A_107, %parallel_loop3A_112 : vector<16xf32>
        %parallel_loop3A_114 = arith.constant 0x4B3FF800 : f32
        %parallel_loop3A_115 = vector.broadcast %parallel_loop3A_114 : f32 to vector<16xf32>
        %parallel_loop3A_116 = arith.maximumf %parallel_loop3A_113, %parallel_loop3A_115 : vector<16xf32>
        %parallel_loop3A_117 = arith.constant 0x4B3FF800 : f32
        %parallel_loop3A_118 = vector.broadcast %parallel_loop3A_117 : f32 to vector<16xf32>
        %parallel_loop3A_119 = arith.subf %parallel_loop3A_116, %parallel_loop3A_118 : vector<16xf32>
        %parallel_loop3A_120 = arith.fptosi %parallel_loop3A_119 : vector<16xf32> to vector<16xi32>
        %parallel_loop3A_121 = tpu.vector_load_idx %arg5[%parallel_loop3A_120] : memref<4160xf32, #tpu.memory_space<vmem>>[vector<16xi32>], vector<16xf32>,
        %parallel_loop3A_122 = arith.mulf %parallel_loop3A_110, %parallel_loop3A_121 : vector<16xf32>
        %parallel_loop3A_123 = arith.constant 4.915200e+04 : f32
        %parallel_loop3A_124 = vector.broadcast %parallel_loop3A_123 : f32 to vector<16xf32>
        %parallel_loop3A_125 = arith.addf %parallel_loop3A_122, %parallel_loop3A_124 : vector<16xf32>
        %parallel_loop3A_126 = arith.constant 4.915200e+04 : f32
        %parallel_loop3A_127 = vector.broadcast %parallel_loop3A_126 : f32 to vector<16xf32>
        %parallel_loop3A_128 = arith.subf %parallel_loop3A_125, %parallel_loop3A_127 : vector<16xf32>
        %parallel_loop3A_129 = arith.index_cast %parallel_loop3A_83 : i32 to index
        %parallel_loop3A_130 = arith.index_cast %parallel_loop3A_92 : i32 to index
        %parallel_loop3A_131 = tpu.vector_load %arg9[%parallel_loop3A_129, %parallel_loop3A_130] {strides = array<i32>} : memref<8x2048xf32, #tpu.memory_space<vmem>>, vector<16xf32>,
        tpu.vector_store %arg9[%parallel_loop3A_129, %parallel_loop3A_130], %parallel_loop3A_128 {strides = array<i32>} : memref<8x2048xf32, #tpu.memory_space<vmem>>, vector<16xf32>,
      } {sc.loop_unroll_factor = 8 : i64, sc.parallel_access}
      %dma_start3A_68 = arith.constant 0 : i32
      %dma_start3A_69 = tpu.memref_slice %arg4[%add3A_55, %dma_start3A_68] : memref<16384x2048xf32, #tpu.memory_space<hbm>> -> memref<8x2048xf32, #tpu.memory_space<hbm>>
      %dma_start3A_70 = arith.constant 0 : i32
      %dma_start3A_71 = tpu.memref_slice %arg4[%add3A_55, %dma_start3A_70] : memref<16384x2048xf32, #tpu.memory_space<hbm>> -> memref<8x2048xf32, #tpu.memory_space<hbm>>
      tpu.enqueue_dma source(%arg9 : memref<8x2048xf32, #tpu.memory_space<vmem>>) target(%dma_start3A_71 : memref<8x2048xf32, #tpu.memory_space<hbm>>) target_semaphore(%arg13 : memref<!tpu.dma_semaphore, #tpu.memory_space<semaphore_mem>>)
      %add3A_72 = arith.constant 2 : i32
      %add3A_73 = arith.addi %add3A_52, %add3A_72 : i32
      %lt3A_74 = arith.constant 64 : i32
      %lt3A_75 = arith.cmpi slt, %add3A_73, %lt3A_74 : i32
      %convert_element_type3A_76 = arith.extui %lt3A_75 : i1 to i32
      %cond3A_77 = arith.constant 0 : i32
      %cond3A_78 = arith.cmpi ne, %convert_element_type3A_76, %cond3A_77 : i32
      scf.if %cond3A_78 {
        %add3A_79 = arith.constant 16 : i32
        %add3A_80 = arith.addi %add3A_55, %add3A_79 : i32
        %dma_start3A_81 = arith.constant 0 : i32
        %dma_start3A_82 = tpu.memref_slice %arg2[%add3A_80, %dma_start3A_81] : memref<16384x2048xf32, #tpu.memory_space<hbm>> -> memref<8x2048xf32, #tpu.memory_space<hbm>>
        %dma_start3A_83 = arith.constant 0 : i32
        %dma_start3A_84 = tpu.memref_slice %arg2[%add3A_80, %dma_start3A_83] : memref<16384x2048xf32, #tpu.memory_space<hbm>> -> memref<8x2048xf32, #tpu.memory_space<hbm>>
        tpu.enqueue_dma source(%dma_start3A_84 : memref<8x2048xf32, #tpu.memory_space<hbm>>) target(%arg7 : memref<8x2048xf32, #tpu.memory_space<vmem>>) target_semaphore(%arg11 : memref<!tpu.dma_semaphore, #tpu.memory_space<semaphore_mem>>)
      } else {
      }
    }
    %scan3A_15 = arith.constant 32 : i32
    %dma_wait3A = arith.constant 0 : i32
    %dma_wait3A_16 = tpu.memref_slice %arg4[%mul3A_2, %dma_wait3A] : memref<16384x2048xf32, #tpu.memory_space<hbm>> -> memref<8x2048xf32, #tpu.memory_space<hbm>>
    %dma_wait3A_17 = arith.constant 0 : i32
    %dma_wait3A_18 = tpu.memref_slice %arg4[%mul3A_2, %dma_wait3A_17] : memref<16384x2048xf32, #tpu.memory_space<hbm>> -> memref<8x2048xf32, #tpu.memory_space<hbm>>
    tpu.wait_dma2 semaphore(%arg12 : memref<!tpu.dma_semaphore, #tpu.memory_space<semaphore_mem>>) src(%arg8 : memref<8x2048xf32, #tpu.memory_space<vmem>>) dst(%dma_wait3A_18 : memref<8x2048xf32, #tpu.memory_space<hbm>>)
    %dma_wait3A_19 = arith.constant 0 : i32
    %dma_wait3A_20 = tpu.memref_slice %arg4[%mul3A_2, %dma_wait3A_19] : memref<16384x2048xf32, #tpu.memory_space<hbm>> -> memref<8x2048xf32, #tpu.memory_space<hbm>>
    %dma_wait3A_21 = arith.constant 0 : i32
    %dma_wait3A_22 = tpu.memref_slice %arg4[%mul3A_2, %dma_wait3A_21] : memref<16384x2048xf32, #tpu.memory_space<hbm>> -> memref<8x2048xf32, #tpu.memory_space<hbm>>
    tpu.wait_dma2 semaphore(%arg13 : memref<!tpu.dma_semaphore, #tpu.memory_space<semaphore_mem>>) src(%arg9 : memref<8x2048xf32, #tpu.memory_space<vmem>>) dst(%dma_wait3A_22 : memref<8x2048xf32, #tpu.memory_space<hbm>>)
    return
  }
}

</mosaic_0001>

<sc_bundles>
// kernel: kernel.3.cloned.1.call-start
scs
__scs_entry_jumppad:
0x0: {  	(pc) =	sbr.rel $0x88, $3  }
0x1: {  	(tag) =	ssettag $0x0;
	lr =	simm.s32 $0x1  }
0x2: {  	[smem:$0x3F9F] =	sst lr;
	_ =	strace $0xD0000000  }
0x3: {  	_ = 	snop  }
0x4: {  	_ = 	snop  }
0x5: {  	_ = 	snop  }
0x6: {  	_ = 	snop  }
0x7: {  	_ = 	snop  }
__scs_overlays_trampoline_lowered:
0x8: {  	[smem:$0x3FAE] =	sst s0  }
0x9: {  	[smem:$0x3FAF] =	sst s1  }
0xa: {  	[smem:$0x3FB0] =	sst s2  }
0xb: {  	[smem:$0x3FB1] =	sst s3  }
0xc: {  	[smem:$0x3FB2] =	sst s4  }
0xd: {  	[smem:$0x3FB3] =	sst s5  }
0xe: {  	[smem:$0x3FB4] =	sst s6  }
0xf: {  	[smem:$0x3FB5] =	sst s7  }
0x10: {  	[smem:$0x3FB6] =	sst s8  }
0x11: {  	[smem:$0x3FB7] =	sst s9;
	s0 =	simm.s32 @!p0 $0x0  }
0x12: {  	s1 =	sld [smem:$0x3F9D];
	s0 =	simm.s32 @p0 $0x1  }
0x13: {  	[smem:$0x3FB8] =	sst s0;
	s0 =	simm.s32 @!p1 $0x0  }
0x14: {  	s2 =	sld [smem:$0x3F9C];
	s0 =	simm.s32 @p1 $0x1  }
0x15: {  	[smem:$0x3FB9] =	sst s0;
	s0 =	simm.s32 @!p2 $0x0  }
0x16: {  	s3 =	sld [smem:$0x3FDB];
	s0 =	simm.s32 @p2 $0x1  }
0x17: {  	s4 =	simm.s32 $0x1BF5;
	[smem:$0x3FBB] =	sst s0  }
0x18: {  	s0 =	sld [smem:$0x3F9E];
	_ =	swait.ge [sflag:s4], $0x0  }
0x19: {  	s7 =	sld [smem:$0x3F9F]  }
0x1a: {  	s8 =	sadd.s32 $0xFFFFE003, lr  }
0x1b: {  	s9 =	sadd.s32 $0xFFFFFEF7, lr;
	s5 =	simm.s32 $0xFFFFFFFF;
	p2 =	slt.u32 s8, $0xFFFFF086  }
0x1c: {  	p1 =	slt.u32 s9, $0xF7A;
	s5 =	simm.s32 @!p2 $0x0  }
0x1d: {  	s5 =	simm.s32 @p1 $0x1;
	p0 =	seq.s32 s7, s2  }
0x1e: {  	s7 =	smul.u32 @!p0 $0xF7A, s2;
	p2 =	seq.s32 @!p0 s5, $0x0  }
0x1f: {  	s9 =	smul.u32 $0xF7A, s1;
	s8 =	simm.s32 @!p0 $0x1BF5;
	p2 =	por !p2, p0  }
0x20: {  	[sflag:s8] =	ssyncset.s32 @!p0 $0xFFFFF086;
	s6 =	sadd.s32 @!p0 s3, s7;
	s7 =	simm.s32 @!p0 $0x108  }
0x21: {  	s3 =	sadd.s32 s3, s9;
	s6 =	sadd.s32 @!p0 $0x88, s6;
	s7 =	simm.s32 @p2 $0x1082  }
0x22: {  	[simem:s7], [sflag:s8] =	dma.local @!p0 [hbm:s6], $0xF7A  }
0x23: {  	s9 =	sor.u32 $0xD0000000, s2;
	s6 =	simm.s32 $0x108;
	_ =	swait.ge @!p0 [sflag:s8], $0x0  }
0x24: {  	s3 =	sadd.s32 $0x88, s3;
	s6 =	simm.s32 @!p1 $0x1082;
	[sflag:s4] =	ssyncset.s32 $0xFFFFF086  }
0x25: {  	[simem:s6], [sflag:s4] =	dma.local [hbm:s3], $0xF7A  }
0x26: {  	[smem:$0x3F9F] =	sst s1;
	(tag) =	ssettag s2;
	_ =	strace s9  }
0x27: {  	s1 =	sld [smem:$0x3FAF]  }
0x28: {  	s2 =	sld [smem:$0x3FB0]  }
0x29: {  	s4 =	sld [smem:$0x3FB2]  }
0x2a: {  	p0 =	seq.s32 s5, $0x0;
	s5 =	sld [smem:$0x3FB3]  }
0x2b: {  	s6 =	sld [smem:$0x3FB4]  }
0x2c: {  	s7 =	sld [smem:$0x3FB5]  }
0x2d: {  	s3 =	simm.s32 $0x108;
	s8 =	sld [smem:$0x3FB6]  }
0x2e: {  	s3 =	simm.s32 @!p0 $0x1082;
	s9 =	sld [smem:$0x3FB7]  }
0x2f: {  	lr =	sadd.s32 s0, s3;
	s0 =	sld [smem:$0x3FAE]  }
0x30: {  	s3 =	sld [smem:$0x3FB1]  }
0x31: {  	[smem:$0x3FBA] =	sst s10  }
0x32: {  	s10 =	sld [smem:$0x3FB8];
	_ =	sdelay $0x3  }
0x33: {  	p0 =	seq.s32 s10, $0x1;
	s10 =	sld [smem:$0x3FBA];
	_ =	sdelay $0x3  }
0x34: {  	[smem:$0x3FBA] =	sst s10  }
0x35: {  	s10 =	sld [smem:$0x3FB9];
	_ =	sdelay $0x3  }
0x36: {  	p1 =	seq.s32 s10, $0x1;
	s10 =	sld [smem:$0x3FBA];
	_ =	sdelay $0x3  }
0x37: {  	[smem:$0x3FBA] =	sst s10  }
0x38: {  	s10 =	sld [smem:$0x3FBB]  }
0x39: {  	_ = 	snop;
	(pc) =	sbr.ind lr, $3  }
0x3a: {  	_ = 	snop  }
0x3b: {  	_ = 	snop  }
0x3c: {  	p2 =	seq.s32 s10, $0x1;
	s10 =	sld [smem:$0x3FBA]  }
0x3d: {  	_ =	shalt  }
0x3e: {  	_ =	shalt  }
0x3f: {  	_ =	shalt  }
0x40: {  	_ =	shalt  }
0x41: {  	_ =	shalt  }
0x42: {  	_ =	shalt  }
0x43: {  	_ =	shalt  }
0x44: {  	_ =	shalt  }
0x45: {  	_ =	shalt  }
0x46: {  	_ =	shalt  }
0x47: {  	_ =	shalt  }
0x48: {  	_ =	shalt  }
0x49: {  	_ =	shalt  }
0x4a: {  	_ =	shalt  }
0x4b: {  	_ =	shalt  }
0x4c: {  	_ =	shalt  }
0x4d: {  	_ =	shalt  }
0x4e: {  	_ =	shalt  }
0x4f: {  	_ =	shalt  }
0x50: {  	_ =	shalt  }
0x51: {  	_ =	shalt  }
0x52: {  	_ =	shalt  }
0x53: {  	_ =	shalt  }
0x54: {  	_ =	shalt  }
0x55: {  	_ =	shalt  }
0x56: {  	_ =	shalt  }
0x57: {  	_ =	shalt  }
0x58: {  	_ =	shalt  }
0x59: {  	_ =	shalt  }
0x5a: {  	_ =	shalt  }
0x5b: {  	_ =	shalt  }
0x5c: {  	_ =	shalt  }
0x5d: {  	_ =	shalt  }
0x5e: {  	_ =	shalt  }
0x5f: {  	_ =	shalt  }
0x60: {  	_ =	shalt  }
0x61: {  	_ =	shalt  }
0x62: {  	_ =	shalt  }
0x63: {  	_ =	shalt  }
0x64: {  	_ =	shalt  }
0x65: {  	_ =	shalt  }
0x66: {  	_ =	shalt  }
0x67: {  	_ =	shalt  }
0x68: {  	_ =	shalt  }
0x69: {  	_ =	shalt  }
0x6a: {  	_ =	shalt  }
0x6b: {  	_ =	shalt  }
0x6c: {  	_ =	shalt  }
0x6d: {  	_ =	shalt  }
0x6e: {  	_ =	shalt  }
0x6f: {  	_ =	shalt  }
0x70: {  	_ =	shalt  }
0x71: {  	_ =	shalt  }
0x72: {  	_ =	shalt  }
0x73: {  	_ =	shalt  }
0x74: {  	_ =	shalt  }
0x75: {  	_ =	shalt  }
0x76: {  	_ =	shalt  }
0x77: {  	_ =	shalt  }
0x78: {  	_ =	shalt  }
0x79: {  	_ =	shalt  }
0x7a: {  	_ =	shalt  }
0x7b: {  	_ =	shalt  }
0x7c: {  	_ =	shalt  }
0x7d: {  	_ =	shalt  }
0x7e: {  	_ =	shalt  }
0x7f: {  	_ =	shalt  }
0x80: {  	_ =	shalt  }
0x81: {  	_ =	shalt  }
0x82: {  	_ =	shalt  }
0x83: {  	_ =	shalt  }
0x84: {  	_ =	shalt  }
0x85: {  	_ =	shalt  }
0x86: {  	_ =	shalt  }
0x87: {  	_ =	shalt  }
.Lfunc_end0:
.L_simem_size_0:
called_computation_lowered:
.L_overlay_start_0:
0x88: {  	s2 =	sld [smem:$0x3FD9]  }
0x89: {  	s3 =	sld [smem:$0x3FFE];
	_ =	sdelay $0x1  }
0x8a: {  	s1 =	srdreg.scid  }
0x8b: {  	s0 =	sand.u32 $0x1, s1  }
0x8c: {  	s17 =	sshll.u32 s0, $0xA;
	s2 =	sadd.s32 s3, s2  }
0x8d: {  	s2 =	sadd.s32 s2, s17  }
0x8e: {  	[smem:$0x3FC6] =	sst s2  }
0x8f: {  	_ = 	snop  }
0x90: {  	s2 =	sld [smem:$0x3FC9]  }
0x91: {  	s18 =	sld [smem:$0x3FD0];
	(tm) =	ssettm $0x1  }
0x92: {  	s4 =	sld [smem:$0x3FFB];
	_ =	sdelay $0x3  }
0x93: {  	_ =	strace s4  }
0x94: {  	s4 =	sld [smem:$0x3FFC];
	_ =	sdelay $0x3  }
0x95: {  	_ =	strace s4  }
0x96: {  	s4 =	sld [smem:$0x3FFD];
	_ =	sdelay $0x3  }
0x97: {  	_ =	strace s4  }
0x98: {  	_ =	strace $0x8FFFFFFF  }
0x99: {  	s19 =	sld [smem:$0x3FDB];
	_ =	sdelay $0x1  }
0x9a: {  	s5 =	simm.s32 $_scs_section_size  }
0x9b: {  	s6 =	simm.s32 $_size__tile_overlayer_lowered;
	s7 =	simm.s32 $_tile_overlayer_lowered  }
0x9c: {  	s22 =	simm.s32 $0x1BFF;
	s21 =	sshll.u32 s7, $0x1;
	s4 =	sadd.s32 s5, s19  }
0x9d: {  	s8 =	simm.s32 $0x0;
	s20 =	sshll.u32 s6, $0x1;
	s6 =	sadd.s32 s21, s4  }
0x9e: {  	[timem:s8], [sflag:s22] =	dma.local [hbm:s6], s20  }
0x9f: {  	_ =	swait.ge [sflag:s22], s20  }
0xa0: {  	s5 =	ssub.s32 $0x0, s20;
	[sflag:s22] =	ssyncset.done $0x0  }
0xa1: {  	[sflag:s22] =	ssyncadd.s32 s5;
	_ =	sdelay $0x1  }
0xa2: {  	s23 =	simm.s32 $0x1B8B  }
0xa3: {  	_ =	swait.ge [sflag:s23], $0x1  }
0xa4: {  	[sflag:s23] =	ssyncset.done $0x0  }
0xa5: {  	s25 =	simm.s32 $0x1B8E;
	s24 =	sld [smem:$0x3FFE];
	[sflag:s23] =	ssyncadd.s32 $0xFFFFFFFF  }
0xa6: {  	s26 =	simm.s32 $execute0_lowered;
	[smem:$0x3FD2] =	sst s25  }
0xa7: {  	s6 =	sshll.u32 s26, $0x1;
	_ =	strace $0x80000046;
	[dreg:$0x1] =	wrdreg $0xFFFFFFFF  }
0xa8: {  	s28 =	simm.s32 $_size_execute0_lowered;
	s4 =	sadd.s32 s4, s6;
	[dreg:$0x0] =	wrdreg $0x0  }
0xa9: {  	s6 =	sshll.u32 s28, $0x1;
	[dreg:$0x2] =	wrdreg s4  }
0xaa: {  	[dreg:$0x3] =	wrdreg s6  }
0xab: {  	[dreg:$0x4] =	wrdreg $0xC0  }
0xac: {  	_ =	task [dreg:s8], $0x5FFFF  }
0xad: {  	[dreg:$0x1] =	wrdreg $0xFFFFFFFF  }
0xae: {  	[dreg:$0x0] =	wrdreg $0x60  }
0xaf: {  	[dreg:$0x2] =	wrdreg s2  }
0xb0: {  	[dreg:$0x3] =	wrdreg s24  }
0xb1: {  	[dreg:$0x4] =	wrdreg s18  }
0xb2: {  	[dreg:$0x5] =	wrdreg $0x9  }
0xb3: {  	_ =	task.clear_ibuf [dreg:s8], $0x6FFFF;
	_ =	strace $0x90000046  }
0xb4: {  	s29 =	simm.s32 $0x9;
	_ =	strace $0x80000048  }
0xb5: {  	_ =	swait.ge [sflag:s29], $0x1  }
0xb6: {  	[sflag:s29] =	ssyncadd.s32 $0xFFFFFFFF  }
0xb7: {  	_ =	strace $0x90000048  }
0xb8: {  	_ =	sfence  }
0xb9: {  	s30 =	sld [smem:$0x0];
	_ =	sdelay $0x2  }
0xba: {  	s31 =	sshll.u32 s1, $0xD;
	s1 =	sshrl.u32 s1, $0x2  }
0xbb: {  	s3 =	sand.u32 $0x4000, s31;
	s1 =	sadd.s32 s1, s30  }
0xbc: {  	s0 =	sor.u32 s3, s0;
	s1 =	sshll.u32 s1, $0x11  }
0xbd: {  	s0 =	sor.u32 s1, s0  }
0xbe: {  	s0 =	sadd.s32 $0x8F2B, s0  }
0xbf: {  	[sflag:s0] =	ssyncadd.remote.s32 $0x1  }
0xc0: {  	_ =	sfence.sel $0xFFFF  }
0xc1: {  	[dreg:$0x0] =	wrdreg $0xFFFFFFFF;
	(pc) =	sbr.abs _section_cstart, $3  }
0xc2: {  	[dreg:$0x1] =	wrdreg $0xFFFFFFFF  }
0xc3: {  	_ =	task.clear_ibuf [dreg:s8], $0x2FFFF;
	_ =	strace $0x9FFFFFFF  }
0xc4: {  	(tm) =	ssettm $0x7FFFFFFF  }
0xc5: {  	_ =	shalt  }
tec
execute0_lowered:
.L_overlay_start_1:
0x0: {  	(tag) =	ssettag $0x1  }
0x1: {  	s8 =	rddreg [dreg:$0x0]  }
0x2: {  	s6 =	rddreg [dreg:$0x1]  }
0x3: {  	s2 =	rddreg [dreg:$0x2]  }
0x4: {  	s3 =	srdreg.scid;
	s0 =	rddreg [dreg:$0x3]  }
0x5: {  	s1 =	stileid.u32;
	s10 =	simm.s32 $0x5;
	s11 =	simm.s32 $0x1080  }
0x6: {  	s12 =	simm.s32 $0x5080;
	s13 =	simm.s32 $0x1;
	s14 =	simm.s32 $0x9080  }
0x7: {  	s15 =	simm.s32 $0x2;
	s16 =	simm.s32 $0x4;
	s17 =	simm.s32 $0xD080  }
0x8: {  	s18 =	simm.s32 $0x3;
	s19 =	simm.s32 $0x0;
	s4 =	sand.u32 $0x1, s3  }
.Ltmp0:
0x9: {  	s3 =	simm.s32 $0x0;
	s5 =	sshll.u32 s1, $0x12;
	(pc) =	sbr.rel .LBB2_1-.Ltmp0, $4  }
0xa: {  	s6 =	sadd.s32 $0x400, s6;
	s7 =	sshll.u32 s4, $0x11;
	s9 =	ssub.s32 $0x2, s4  }
0xb: {  	[smem:$0x7FF] =	sst s3;
	s4 =	sor.u32 s7, s5;
	s31 =	sshrl.u32 s9, $0x1  }
0xc: {  	_ =	strace $0x80000047;
	s5 =	sadd.s32 s8, s4;
	s9 =	ssub.s32 s9, s31  }
0xd: {  	s8 =	sadd.s32 $0x1000, s8;
	s7 =	sadd.s32 $0x800, s5;
	s9 =	smax.u32 s9, $0x1  }
.LBB2_12:
0xe: {  	s19 =	sadd.s32 $0x1, s19  }
0xf: {  	_ =	swait.ge [sflag:s18], $0x4000;
	p0 =	sne.s32 s19, s9  }
.Ltmp1:
0x10: {  	[sflag:s18] =	ssyncset.done $0x0;
	(pc) =	sbr.rel @!p0 .LBB2_13-.Ltmp1, $4  }
0x11: {  	[sflag:s18] =	ssyncadd.s32 $0xFFFFC000  }
0x12: {  	_ =	swait.ge [sflag:s16], $0x4000  }
0x13: {  	[sflag:s16] =	ssyncset.done $0x0  }
0x14: {  	[sflag:s16] =	ssyncadd.s32 $0xFFFFC000  }
.LBB2_1:
0x15: {  	[tilespmem:s3], [sflag:$0x5] =	stream.linear.gather [hbm4b:s6+s3], $0x1080, $0x38;
	[tilespmem:$0x11080] =	vst v63  }
0x16: {  	_ =	swait.ge [sflag:s10], $0x1080  }
0x17: {  	[sflag:s10] =	ssyncset.done $0x0  }
0x18: {  	[sflag:s10] =	ssyncadd.s32 $0xFFFFEF80  }
0x19: {  	[tilespmem:s11], [sflag:$0x1] =	stream.linear.gather [hbm4b:s5+s3], $0x4000, $0x38;
	[tilespmem:$0x11080] =	vst v63  }
0x1a: {  	s20 =	simm.s32 $0x0  }
0x1b: {  	[tilespmem:s12], [sflag:$0x2] =	stream.linear.gather [hbm4b:s7+s3], $0x4000, $0x38;
	[tilespmem:$0x11080] =	vst v63  }
.LBB2_2:
0x1c: {  	_ =	swait.ge [sflag:s13], $0x4000  }
0x1d: {  	p0 =	seq.s32 s20, $0x0;
	[sflag:s13] =	ssyncset.done $0x0  }
0x1e: {  	s21 =	simm.s32 @!p0 $0x3;
	[sflag:s13] =	ssyncadd.s32 $0xFFFFC000  }
0x1f: {  	_ =	swait.ge @!p0 [sflag:s21], $0x4000  }
0x20: {  	[sflag:s21] =	ssyncset.done @!p0 $0x0  }
0x21: {  	s30 =	simm.s32 $0x10C0;
	[sflag:s21] =	ssyncadd.s32 @!p0 $0xFFFFC000  }
0x22: {  	v0 =	vld [tilespmem:s30+$0x0]  }
0x23: {  	v1 =	vld [tilespmem:s30+$0xFFFFFFE0]  }
0x24: {  	v2 =	vld [tilespmem:s30+$0xFFFFFFC0]  }
0x25: {  	v3 =	vld [tilespmem:s30+$0xFFFFFFD0]  }
0x26: {  	v4 =	vld [tilespmem:s30+$0x10]  }
0x27: {  	v5 =	vld [tilespmem:s30+$0xFFFFFFF0]  }
0x28: {  	v6 =	vld [tilespmem:s30+$0x30]  }
0x29: {  	v7 =	vld [tilespmem:s30+$0x20]  }
0x2a: {  	v0 =	vmul.f32 $2.560000000e+02, v0;
	v1 =	vmul.f32 $2.560000000e+02, v1  }
0x2b: {  	v2 =	vmul.f32 $2.560000000e+02, v2;
	v3 =	vmul.f32 $2.560000000e+02, v3  }
0x2c: {  	v4 =	vmul.f32 $2.560000000e+02, v4;
	v5 =	vmul.f32 $2.560000000e+02, v5  }
0x2d: {  	v6 =	vmul.f32 $2.560000000e+02, v6;
	v0 =	vadd.f32 $1.258291200e+07, v0;
	v1 =	vadd.f32 $1.258291200e+07, v1  }
0x2e: {  	v7 =	vmul.f32 $2.560000000e+02, v7;
	v2 =	vadd.f32 $1.258291200e+07, v2;
	v5 =	vadd.f32 $1.258291200e+07, v5  }
0x2f: {  	v3 =	vadd.f32 $1.258291200e+07, v3;
	v6 =	vadd.f32 $1.258291200e+07, v6  }
0x30: {  	v4 =	vadd.f32 $1.258291200e+07, v4;
	v7 =	vadd.f32 $1.258291200e+07, v7  }
0x31: {  	v0 =	vmin.f32 v0, $1.261567900e+07;
	v1 =	vmin.f32 v1, $1.261567900e+07;
	v2 =	vmin.f32 v2, $1.261567900e+07  }
0x32: {  	v5 =	vmin.f32 v5, $1.261567900e+07;
	v3 =	vmin.f32 v3, $1.261567900e+07;
	v6 =	vmin.f32 v6, $1.261567900e+07  }
0x33: {  	v4 =	vmin.f32 v4, $1.261567900e+07;
	v7 =	vmin.f32 v7, $1.261567900e+07;
	v0 =	vmax.f32 v0, $1.255014400e+07  }
0x34: {  	v2 =	vmax.f32 v2, $1.255014400e+07;
	v5 =	vmax.f32 v5, $1.255014400e+07;
	v3 =	vmax.f32 v3, $1.255014400e+07  }
0x35: {  	v6 =	vmax.f32 v6, $1.255014400e+07;
	v8 =	vmin.f32 v2, $1.258496000e+07;
	v10 =	vmin.f32 v0, $1.258496000e+07  }
0x36: {  	v11 =	vmin.f32 v3, $1.258496000e+07;
	v12 =	vmin.f32 v5, $1.258496000e+07;
	v8 =	vmax.f32 v8, $1.258086400e+07  }
0x37: {  	v13 =	vmin.f32 v6, $1.258496000e+07;
	v12 =	vmax.f32 v12, $1.258086400e+07;
	v8 =	vadd.f32 $-1.258086400e+07, v8  }
0x38: {  	v11 =	vmax.f32 v11, $1.258086400e+07;
	v10 =	vmax.f32 v10, $1.258086400e+07;
	v12 =	vadd.f32 $-1.258086400e+07, v12  }
0x39: {  	v13 =	vmax.f32 v13, $1.258086400e+07;
	v11 =	vadd.f32 $-1.258086400e+07, v11;
	v8 =	vtrunc.f32 v8  }
0x3a: {  	v10 =	vadd.f32 $-1.258086400e+07, v10;
	v12 =	vtrunc.f32 v12;
	v8 =	vcvt.f32.s32 v8  }
0x3b: {  	s31 =	simm.s32 $0x1140;
	v13 =	vadd.f32 $-1.258086400e+07, v13;
	v11 =	vtrunc.f32 v11;
	v12 =	vcvt.f32.s32 v12  }
0x3c: {  	v16 =	vld [tilespmem:s31+$0x0];
	v1 =	vmax.f32 v1, $1.255014400e+07;
	v10 =	vtrunc.f32 v10;
	v11 =	vcvt.f32.s32 v11  }
0x3d: {  	v14 =	vld [tilespmem:s31+$0xFFFFFFD0];
	v4 =	vmax.f32 v4, $1.255014400e+07;
	v13 =	vtrunc.f32 v13;
	v10 =	vcvt.f32.s32 v10  }
0x3e: {  	v17 =	vld [tilespmem:s31+$0xFFFFFFE0];
	v9 =	vmin.f32 v1, $1.258496000e+07;
	v15 =	vmin.f32 v4, $1.258496000e+07;
	v13 =	vcvt.f32.s32 v13  }
0x3f: {  	v19 =	vld [tilespmem:s31+$0xFFFFFFC0];
	v2 =	vadd.f32 $-1.258291200e+07, v2;
	v9 =	vmax.f32 v9, $1.258086400e+07;
	v15 =	vmax.f32 v15, $1.258086400e+07  }
0x40: {  	v7 =	vmax.f32 v7, $1.255014400e+07;
	v9 =	vadd.f32 $-1.258086400e+07, v9;
	v15 =	vadd.f32 $-1.258086400e+07, v15;
	v8 =	vld.idx.msk [tilespmem:v8+s3+$0x0], $0xffff  }
0x41: {  	v16 =	vmul.f32 $2.560000000e+02, v16;
	v18 =	vadd.f32 $-1.258291200e+07, v1;
	v1 =	vadd.f32 $-1.258291200e+07, v7;
	v12 =	vld.idx.msk [tilespmem:v12+s3+$0x0], $0xffff  }
0x42: {  	v5 =	vadd.f32 $-1.258291200e+07, v5;
	v9 =	vtrunc.f32 v9;
	v15 =	vtrunc.f32 v15;
	v11 =	vld.idx.msk [tilespmem:v11+s3+$0x0], $0xffff  }
0x43: {  	v6 =	vadd.f32 $-1.258291200e+07, v6;
	v21 =	vcvt.f32.s32 v15;
	v15 =	vmul.f32 $2.560000000e+02, v17;
	v10 =	vld.idx.msk [tilespmem:v10+s3+$0x0], $0xffff  }
0x44: {  	v9 =	vcvt.f32.s32 v9;
	v17 =	vadd.f32 $-1.258291200e+07, v0;
	v0 =	vmul.f32 $2.560000000e+02, v19;
	v13 =	vld.idx.msk [tilespmem:v13+s3+$0x0], $0xffff  }
0x45: {  	v15 =	vadd.f32 $1.258291200e+07, v15;
	v8 =	vmul.f32 v2, v8;
	v2 =	vadd.f32 $-1.258291200e+07, v3  }
0x46: {  	v19 =	vadd.f32 $1.258291200e+07, v0;
	v3 =	vadd.f32 $-1.258291200e+07, v4;
	v12 =	vmul.f32 v5, v12  }
0x47: {  	v5 =	vmin.f32 v7, $1.258496000e+07;
	v11 =	vmul.f32 v2, v11;
	v2 =	vadd.f32 $1.258291200e+07, v16;
	v16 =	vld [tilespmem:s31+$0x30]  }
0x48: {  	v20 =	vld [tilespmem:s31+$0x10];
	v7 =	vmul.f32 $2.560000000e+02, v14;
	v10 =	vmul.f32 v17, v10;
	v5 =	vmax.f32 v5, $1.258086400e+07  }
0x49: {  	v13 =	vmul.f32 v6, v13;
	v5 =	vadd.f32 $-1.258086400e+07, v5;
	v22 =	vadd.f32 $4.915200000e+04, v8  }
0x4a: {  	v4 =	vld [tilespmem:s31+$0xFFFFFFF0];
	v8 =	vmin.f32 v19, $1.261567900e+07;
	v7 =	vadd.f32 $1.258291200e+07, v7;
	v26 =	vadd.f32 $4.915200000e+04, v12  }
0x4b: {  	v12 =	vadd.f32 $4.915200000e+04, v10;
	v13 =	vadd.f32 $4.915200000e+04, v13;
	v23 =	vmax.f32 v8, $1.255014400e+07  }
0x4c: {  	v14 =	vmin.f32 v2, $1.261567900e+07;
	v2 =	vmin.f32 v15, $1.261567900e+07;
	v16 =	vmul.f32 $2.560000000e+02, v16  }
0x4d: {  	v15 =	vmul.f32 $2.560000000e+02, v20;
	v11 =	vadd.f32 $4.915200000e+04, v11;
	v7 =	vmin.f32 v7, $1.261567900e+07  }
0x4e: {  	v5 =	vtrunc.f32 v5;
	v8 =	vadd.f32 $1.258291200e+07, v16;
	v16 =	vmin.f32 v23, $1.258496000e+07  }
0x4f: {  	v4 =	vmul.f32 $2.560000000e+02, v4;
	v17 =	vadd.f32 $-4.915200000e+04, v11;
	v11 =	vmax.f32 v16, $1.258086400e+07  }
0x50: {  	v22 =	vadd.f32 $-4.915200000e+04, v22;
	v0 =	vmax.f32 v14, $1.255014400e+07;
	v14 =	vld [tilespmem:s31+$0x20];
	v6 =	vadd.f32 $-1.258086400e+07, v11  }
0x51: {  	v26 =	vadd.f32 $-4.915200000e+04, v26;
	v2 =	vmax.f32 v2, $1.255014400e+07;
	v4 =	vadd.f32 $1.258291200e+07, v4  }
0x52: {  	v16 =	vmin.f32 v8, $1.261567900e+07;
	v8 =	vtrunc.f32 v6;
	v6 =	vmax.f32 v7, $1.255014400e+07  }
0x53: {  	v24 =	vcvt.f32.s32 v5;
	v4 =	vmin.f32 v4, $1.261567900e+07;
	v7 =	vld.idx.msk [tilespmem:v9+s3+$0x0], $0xffff;
	v9 =	vmin.f32 v6, $1.258496000e+07  }
0x54: {  	v20 =	vmin.f32 v2, $1.258496000e+07;
	v4 =	vmax.f32 v4, $1.255014400e+07;
	v9 =	vmax.f32 v9, $1.258086400e+07  }
0x55: {  	v11 =	vmul.f32 $2.560000000e+02, v14;
	v14 =	vmin.f32 v0, $1.258496000e+07;
	v9 =	vadd.f32 $-1.258086400e+07, v9  }
0x56: {  	v25 =	vadd.f32 $1.258291200e+07, v15;
	v15 =	vmin.f32 v4, $1.258496000e+07;
	v14 =	vmax.f32 v14, $1.258086400e+07  }
0x57: {  	v5 =	vmax.f32 v16, $1.255014400e+07;
	v14 =	vadd.f32 $-1.258086400e+07, v14;
	v9 =	vtrunc.f32 v9  }
0x58: {  	v27 =	vadd.f32 $1.258291200e+07, v11;
	v11 =	vcvt.f32.s32 v9;
	v9 =	vmax.f32 v15, $1.258086400e+07  }
0x59: {  	v8 =	vcvt.f32.s32 v8;
	v15 =	vmul.f32 v18, v7;
	v18 =	vld.idx.msk [tilespmem:v21+s3+$0x0], $0xffff;
	v7 =	vadd.f32 $-1.258086400e+07, v9  }
0x5a: {  	s21 =	simm.s32 $0x90C0;
	v19 =	vmin.f32 v5, $1.258496000e+07;
	v16 =	vtrunc.f32 v14;
	v9 =	vmax.f32 v20, $1.258086400e+07;
	v20 =	vld.idx.msk [tilespmem:v24+s3+$0x0], $0xffff  }
0x5b: {  	[tilespmem:s21+$0xFFFFFFC0] =	vst v22;
	v10 =	vmin.f32 v27, $1.261567900e+07;
	v9 =	vadd.f32 $-1.258086400e+07, v9;
	v7 =	vtrunc.f32 v7  }
0x5c: {  	s23 =	simm.s32 $0x8;
	[tilespmem:s21+$0xFFFFFFF0] =	vst v26;
	v21 =	vmin.f32 v25, $1.261567900e+07;
	v14 =	vcvt.f32.s32 v7;
	v7 =	vmax.f32 v10, $1.255014400e+07  }
0x5d: {  	s24 =	simm.s32 $0x9140;
	s25 =	simm.s32 $0x11C0;
	s22 =	simm.s32 $0x9140;
	[tilespmem:s21+$0xFFFFFFD0] =	vst v17;
	v10 =	vadd.f32 $-1.258291200e+07, v23;
	v17 =	vtrunc.f32 v9;
	v9 =	vmax.f32 v21, $1.255014400e+07  }
.LBB2_3:
0x5e: {  	v21 =	vld [tilespmem:s25+$0xFFFFFFD0];
	s23 =	sadd.s32 $0x8, s23;
	v19 =	vmax.f32 v19, $1.258086400e+07;
	s24 =	sadd.s32 $0x80, s24;
	v15 =	vadd.f32 $4.915200000e+04, v15;
	v12 =	vadd.f32 $-4.915200000e+04, v12  }
0x5f: {  	v22 =	vmin.f32 v9, $1.258496000e+07;
	v3 =	vmul.f32 v3, v18;
	v1 =	vmul.f32 v1, v20;
	p1 =	slt.u32 s23, $0x3F8;
	v8 =	vld.idx.msk [tilespmem:v8+s3+$0x0], $0xffff  }
0x60: {  	v16 =	vcvt.f32.s32 v16;
	v18 =	vadd.f32 $-1.258086400e+07, v19;
	v11 =	vld.idx.msk [tilespmem:v11+s3+$0x0], $0xffff;
	v15 =	vadd.f32 $-4.915200000e+04, v15  }
0x61: {  	v20 =	vmax.f32 v22, $1.258086400e+07;
	v3 =	vadd.f32 $4.915200000e+04, v3;
	v1 =	vadd.f32 $4.915200000e+04, v1;
	v19 =	vld [tilespmem:s25+$0x0];
	[tilespmem:s21+$0x0] =	vst v12  }
0x62: {  	v13 =	vadd.f32 $-4.915200000e+04, v13;
	v20 =	vadd.f32 $-1.258086400e+07, v20;
	v18 =	vtrunc.f32 v18;
	v12 =	vld [tilespmem:s25+$0xFFFFFFE0];
	[tilespmem:s21+$0xFFFFFFE0] =	vst v15  }
0x63: {  	v15 =	vcvt.f32.s32 v18;
	v18 =	vadd.f32 $-4.915200000e+04, v3;
	v3 =	vadd.f32 $-4.915200000e+04, v1;
	v14 =	vld.idx.msk [tilespmem:v14+s3+$0x0], $0xffff  }
0x64: {  	v23 =	vadd.f32 $-1.258291200e+07, v2;
	v2 =	vtrunc.f32 v20;
	v1 =	vadd.f32 $-1.258291200e+07, v7;
	v22 =	vld [tilespmem:s25+$0xFFFFFFF0];
	[tilespmem:s21+$0x30] =	vst v13  }
0x65: {  	v6 =	vadd.f32 $-1.258291200e+07, v6;
	v8 =	vmul.f32 v10, v8;
	v10 =	vcvt.f32.s32 v17;
	v13 =	vld [tilespmem:s25+$0xFFFFFFC0];
	[tilespmem:s21+$0x20] =	vst v3  }
0x66: {  	v3 =	vadd.f32 $-1.258291200e+07, v9;
	v9 =	vcvt.f32.s32 v2;
	v17 =	vmul.f32 $2.560000000e+02, v19;
	v19 =	vld [tilespmem:s25+$0x10];
	[tilespmem:s21+$0x10] =	vst v18;
	s21 =	smov.u32 s22;
	s22 =	smov.u32 s24  }
0x67: {  	v4 =	vadd.f32 $-1.258291200e+07, v4;
	v6 =	vmul.f32 v6, v11;
	v2 =	vmul.f32 $2.560000000e+02, v12;
	v11 =	vld.idx.msk [tilespmem:v16+s3+$0x0], $0xffff  }
0x68: {  	v5 =	vadd.f32 $-1.258291200e+07, v5;
	v12 =	vadd.f32 $1.258291200e+07, v17;
	v16 =	vld [tilespmem:s25+$0x20]  }
0x69: {  	v14 =	vmul.f32 v4, v14;
	v4 =	vmin.f32 v7, $1.258496000e+07;
	v2 =	vadd.f32 $1.258291200e+07, v2;
	v17 =	vld [tilespmem:s25+$0x30]  }
0x6a: {  	v18 =	vadd.f32 $-1.258291200e+07, v0;
	v7 =	vmul.f32 $2.560000000e+02, v21;
	v12 =	vmin.f32 v12, $1.261567900e+07;
	v15 =	vld.idx.msk [tilespmem:v15+s3+$0x0], $0xffff  }
0x6b: {  	v0 =	vmul.f32 $2.560000000e+02, v13;
	v2 =	vmin.f32 v2, $1.261567900e+07;
	v13 =	vmul.f32 $2.560000000e+02, v19;
	v10 =	vld.idx.msk [tilespmem:v10+s3+$0x0], $0xffff  }
0x6c: {  	v4 =	vmax.f32 v4, $1.258086400e+07;
	v19 =	vmul.f32 $2.560000000e+02, v22;
	v2 =	vmax.f32 v2, $1.255014400e+07  }
0x6d: {  	v20 =	vadd.f32 $1.258291200e+07, v0;
	v0 =	vmax.f32 v12, $1.255014400e+07;
	v12 =	vadd.f32 $-1.258086400e+07, v4  }
0x6e: {  	v21 =	vmin.f32 v2, $1.258496000e+07;
	v4 =	vmul.f32 $2.560000000e+02, v17;
	v17 =	vadd.f32 $4.915200000e+04, v8  }
0x6f: {  	v6 =	vadd.f32 $4.915200000e+04, v6;
	v19 =	vadd.f32 $1.258291200e+07, v19;
	v8 =	vmin.f32 v20, $1.261567900e+07  }
0x70: {  	v11 =	vmul.f32 v18, v11;
	v22 =	vmax.f32 v8, $1.255014400e+07;
	v8 =	vadd.f32 $1.258291200e+07, v4  }
0x71: {  	v6 =	vadd.f32 $-4.915200000e+04, v6;
	v7 =	vadd.f32 $1.258291200e+07, v7;
	v4 =	vmin.f32 v22, $1.258496000e+07  }
0x72: {  	v18 =	vmin.f32 v19, $1.261567900e+07;
	v24 =	vmul.f32 v5, v15;
	v4 =	vmax.f32 v4, $1.258086400e+07  }
0x73: {  	v15 =	vmul.f32 $2.560000000e+02, v16;
	v5 =	vadd.f32 $-1.258086400e+07, v4;
	v4 =	vmax.f32 v18, $1.255014400e+07;
	[tilespmem:s21+$0xFFFFFFD0] =	vst v6  }
0x74: {  	v16 =	vmin.f32 v8, $1.261567900e+07;
	v6 =	vmin.f32 v7, $1.261567900e+07;
	v7 =	vmin.f32 v0, $1.258496000e+07  }
0x75: {  	v12 =	vtrunc.f32 v12;
	v5 =	vtrunc.f32 v5;
	v6 =	vmax.f32 v6, $1.255014400e+07  }
0x76: {  	v20 =	vcvt.f32.s32 v12;
	v8 =	vcvt.f32.s32 v5;
	v5 =	vmin.f32 v6, $1.258496000e+07  }
0x77: {  	v12 =	vmax.f32 v5, $1.258086400e+07;
	v5 =	vmax.f32 v16, $1.255014400e+07;
	v16 =	vadd.f32 $-4.915200000e+04, v17  }
0x78: {  	v7 =	vmax.f32 v7, $1.258086400e+07;
	v17 =	vadd.f32 $1.258291200e+07, v13;
	v12 =	vadd.f32 $-1.258086400e+07, v12  }
0x79: {  	v14 =	vadd.f32 $4.915200000e+04, v14;
	v7 =	vadd.f32 $-1.258086400e+07, v7;
	v13 =	vmin.f32 v4, $1.258496000e+07;
	[tilespmem:s21+$0xFFFFFFC0] =	vst v16  }
0x7a: {  	v25 =	vadd.f32 $1.258291200e+07, v15;
	v16 =	vtrunc.f32 v12;
	v12 =	vadd.f32 $4.915200000e+04, v11  }
0x7b: {  	v15 =	vmul.f32 v23, v10;
	v13 =	vmax.f32 v13, $1.258086400e+07;
	v11 =	vcvt.f32.s32 v16;
	v18 =	vld.idx.msk [tilespmem:v9+s3+$0x0], $0xffff  }
.Ltmp2:
0x7c: {  	v19 =	vmin.f32 v5, $1.258496000e+07;
	v16 =	vtrunc.f32 v7;
	v9 =	vadd.f32 $-1.258086400e+07, v13;
	v20 =	vld.idx.msk [tilespmem:v20+s3+$0x0], $0xffff;
	(pc) =	sbr.rel @p1 .LBB2_3-.Ltmp2, $4  }
0x7d: {  	v10 =	vmin.f32 v25, $1.261567900e+07;
	v7 =	vmax.f32 v21, $1.258086400e+07;
	v21 =	vadd.f32 $-4.915200000e+04, v14  }
0x7e: {  	v23 =	vadd.f32 $-1.258086400e+07, v7;
	v13 =	vadd.f32 $4.915200000e+04, v24;
	v7 =	vtrunc.f32 v9  }
0x7f: {  	v9 =	vmin.f32 v17, $1.261567900e+07;
	v14 =	vcvt.f32.s32 v7;
	v7 =	vmax.f32 v10, $1.255014400e+07  }
0x80: {  	s25 =	sadd.s32 $0x80, s25;
	v17 =	vtrunc.f32 v23;
	v10 =	vadd.f32 $-1.258291200e+07, v22;
	v9 =	vmax.f32 v9, $1.255014400e+07;
	[tilespmem:s21+$0xFFFFFFF0] =	vst v21  }
0x81: {  	v19 =	vmax.f32 v19, $1.258086400e+07  }
0x82: {  	v21 =	vmin.f32 v9, $1.258496000e+07;
	v3 =	vmul.f32 v3, v18;
	v47 =	vmin.f32 v7, $1.258496000e+07  }
0x83: {  	v1 =	vmul.f32 v1, v20;
	v19 =	vadd.f32 $-1.258086400e+07, v19;
	v18 =	vmax.f32 v47, $1.258086400e+07  }
0x84: {  	v16 =	vcvt.f32.s32 v16;
	v48 =	vmax.f32 v21, $1.258086400e+07;
	v18 =	vadd.f32 $-1.258086400e+07, v18  }
0x85: {  	v17 =	vcvt.f32.s32 v17;
	v20 =	vadd.f32 $-1.258086400e+07, v48;
	v19 =	vtrunc.f32 v19  }
0x86: {  	v19 =	vcvt.f32.s32 v19;
	v18 =	vtrunc.f32 v18  }
0x87: {  	v15 =	vadd.f32 $4.915200000e+04, v15;
	v11 =	vld.idx.msk [tilespmem:v11+s3+$0x0], $0xffff;
	v20 =	vtrunc.f32 v20;
	v18 =	vcvt.f32.s32 v18  }
0x88: {  	v12 =	vadd.f32 $-4.915200000e+04, v12;
	v8 =	vld.idx.msk [tilespmem:v8+s3+$0x0], $0xffff;
	v13 =	vadd.f32 $-4.915200000e+04, v13;
	v20 =	vcvt.f32.s32 v20  }
0x89: {  	v14 =	vld.idx.msk [tilespmem:v14+s3+$0x0], $0xffff;
	v6 =	vadd.f32 $-1.258291200e+07, v6;
	v2 =	vadd.f32 $-1.258291200e+07, v2  }
0x8a: {  	v4 =	vadd.f32 $-1.258291200e+07, v4;
	v50 =	vadd.f32 $-1.258291200e+07, v7;
	v16 =	vld.idx.msk [tilespmem:v16+s3+$0x0], $0xffff  }
0x8b: {  	v0 =	vadd.f32 $-1.258291200e+07, v0;
	v52 =	vadd.f32 $-1.258291200e+07, v9;
	v17 =	vld.idx.msk [tilespmem:v17+s3+$0x0], $0xffff  }
0x8c: {  	v5 =	vadd.f32 $-1.258291200e+07, v5;
	v1 =	vadd.f32 $4.915200000e+04, v1;
	v6 =	vmul.f32 v6, v11;
	v49 =	vld.idx.msk [tilespmem:v19+s3+$0x0], $0xffff  }
0x8d: {  	v15 =	vadd.f32 $-4.915200000e+04, v15;
	v3 =	vadd.f32 $4.915200000e+04, v3;
	[tilespmem:s21+$0x0] =	vst v12;
	v8 =	vmul.f32 v10, v8;
	v51 =	vld.idx.msk [tilespmem:v18+s3+$0x0], $0xffff  }
0x8e: {  	[tilespmem:s21+$0x30] =	vst v13;
	v1 =	vadd.f32 $-4.915200000e+04, v1;
	v4 =	vmul.f32 v4, v14;
	v6 =	vadd.f32 $4.915200000e+04, v6;
	v53 =	vld.idx.msk [tilespmem:v20+s3+$0x0], $0xffff  }
0x8f: {  	v3 =	vadd.f32 $-4.915200000e+04, v3;
	[tilespmem:s21+$0xFFFFFFE0] =	vst v15;
	v8 =	vadd.f32 $4.915200000e+04, v8;
	v0 =	vmul.f32 v0, v16  }
0x90: {  	[tilespmem:s21+$0x20] =	vst v1;
	v4 =	vadd.f32 $4.915200000e+04, v4;
	v54 =	vadd.f32 $-4.915200000e+04, v6;
	v2 =	vmul.f32 v2, v17  }
0x91: {  	[tilespmem:s21+$0x10] =	vst v3;
	v56 =	vadd.f32 $-4.915200000e+04, v8;
	v0 =	vadd.f32 $4.915200000e+04, v0;
	v55 =	vmul.f32 v5, v49  }
0x92: {  	v57 =	vadd.f32 $-4.915200000e+04, v4;
	[tilespmem:s22+$0xFFFFFFD0] =	vst v54;
	v2 =	vadd.f32 $4.915200000e+04, v2;
	v58 =	vmul.f32 v50, v51  }
0x93: {  	[tilespmem:s22+$0xFFFFFFC0] =	vst v56;
	v0 =	vadd.f32 $-4.915200000e+04, v0;
	v59 =	vmul.f32 v52, v53;
	v3 =	vadd.f32 $4.915200000e+04, v55  }
0x94: {  	[tilespmem:s22+$0xFFFFFFF0] =	vst v57;
	v60 =	vadd.f32 $-4.915200000e+04, v2;
	v61 =	vadd.f32 $4.915200000e+04, v58  }
0x95: {  	p1 =	sne.s32 s20, $0x1F;
	[tilespmem:s22+$0x0] =	vst v0;
	v62 =	vadd.f32 $4.915200000e+04, v59;
	v3 =	vadd.f32 $-4.915200000e+04, v3  }
.Ltmp3:
0x96: {  	[tilespmem:s22+$0xFFFFFFE0] =	vst v60;
	v63 =	vadd.f32 $-4.915200000e+04, v61;
	(pc) =	sbr.rel @p1 .LBB2_6-.Ltmp3, $4  }
0x97: {  	s30 =	sshll.u32 s20, $0xC;
	v0 =	vadd.f32 $-4.915200000e+04, v62;
	[tilespmem:s22+$0x30] =	vst v3  }
0x98: {  	s21 =	sor.u32 s4, s30;
	[tilespmem:s22+$0x20] =	vst v63  }
0x99: {  	s31 =	sadd.s32 s2, s21;
	[tilespmem:s22+$0x10] =	vst v0  }
0x9a: {  	[hbm4b:s31+s3] =	stream.linear.scatter [tilespmem:s14], [sflag:$0x3], $0x4000, $0x38;
	[tilespmem:$0x11080] =	vst v63  }
.Ltmp4:
0x9b: {  	(pc) =	sbr.rel .LBB2_7-.Ltmp4, $4  }
0x9c: {  	_ = 	snop  }
0x9d: {  	_ =	swait.ge [sflag:s15], $0x4000  }
0x9e: {  	[sflag:s15] =	ssyncset.done $0x0  }
0x9f: {  	[sflag:s15] =	ssyncadd.s32 $0xFFFFC000  }
.LBB2_6:
.Ltmp5:
0xa0: {  	s22 =	sadd.s32 s21, s8;
	(pc) =	sbr.rel @p0 .LBB2_8-.Ltmp5, $4  }
0xa1: {  	[tilespmem:s11], [sflag:$0x1] =	stream.linear.gather [hbm4b:s22+s3], $0x4000, $0x38;
	[tilespmem:$0x11080] =	vst v63  }
0xa2: {  	_ =	swait.ge [sflag:s15], $0x4000  }
0xa3: {  	[sflag:s15] =	ssyncset.done $0x0  }
0xa4: {  	[sflag:s15] =	ssyncadd.s32 $0xFFFFC000  }
.LBB2_7:
0xa5: {  	_ =	swait.ge [sflag:s16], $0x4000  }
0xa6: {  	[sflag:s16] =	ssyncset.done $0x0  }
0xa7: {  	[sflag:s16] =	ssyncadd.s32 $0xFFFFC000  }
.LBB2_8:
0xa8: {  	s22 =	simm.s32 $0x50C0  }
0xa9: {  	v0 =	vld [tilespmem:s22+$0x0]  }
0xaa: {  	v1 =	vld [tilespmem:s22+$0xFFFFFFE0]  }
0xab: {  	v2 =	vld [tilespmem:s22+$0xFFFFFFC0]  }
0xac: {  	v3 =	vld [tilespmem:s22+$0xFFFFFFD0]  }
0xad: {  	v4 =	vld [tilespmem:s22+$0x10]  }
0xae: {  	v5 =	vld [tilespmem:s22+$0xFFFFFFF0]  }
0xaf: {  	v6 =	vld [tilespmem:s22+$0x30]  }
0xb0: {  	v7 =	vld [tilespmem:s22+$0x20]  }
0xb1: {  	v0 =	vmul.f32 $2.560000000e+02, v0;
	v1 =	vmul.f32 $2.560000000e+02, v1  }
0xb2: {  	v2 =	vmul.f32 $2.560000000e+02, v2;
	v3 =	vmul.f32 $2.560000000e+02, v3  }
0xb3: {  	v4 =	vmul.f32 $2.560000000e+02, v4;
	v5 =	vmul.f32 $2.560000000e+02, v5  }
0xb4: {  	v6 =	vmul.f32 $2.560000000e+02, v6;
	v0 =	vadd.f32 $1.258291200e+07, v0;
	v1 =	vadd.f32 $1.258291200e+07, v1  }
0xb5: {  	v7 =	vmul.f32 $2.560000000e+02, v7;
	v2 =	vadd.f32 $1.258291200e+07, v2;
	v5 =	vadd.f32 $1.258291200e+07, v5  }
0xb6: {  	v3 =	vadd.f32 $1.258291200e+07, v3;
	v6 =	vadd.f32 $1.258291200e+07, v6  }
0xb7: {  	v4 =	vadd.f32 $1.258291200e+07, v4;
	v7 =	vadd.f32 $1.258291200e+07, v7  }
0xb8: {  	v0 =	vmin.f32 v0, $1.261567900e+07;
	v1 =	vmin.f32 v1, $1.261567900e+07;
	v2 =	vmin.f32 v2, $1.261567900e+07  }
0xb9: {  	v5 =	vmin.f32 v5, $1.261567900e+07;
	v3 =	vmin.f32 v3, $1.261567900e+07;
	v6 =	vmin.f32 v6, $1.261567900e+07  }
0xba: {  	v4 =	vmin.f32 v4, $1.261567900e+07;
	v7 =	vmin.f32 v7, $1.261567900e+07;
	v0 =	vmax.f32 v0, $1.255014400e+07  }
0xbb: {  	v2 =	vmax.f32 v2, $1.255014400e+07;
	v5 =	vmax.f32 v5, $1.255014400e+07;
	v3 =	vmax.f32 v3, $1.255014400e+07  }
0xbc: {  	v6 =	vmax.f32 v6, $1.255014400e+07;
	v8 =	vmin.f32 v2, $1.258496000e+07;
	v10 =	vmin.f32 v0, $1.258496000e+07  }
0xbd: {  	v11 =	vmin.f32 v3, $1.258496000e+07;
	v12 =	vmin.f32 v5, $1.258496000e+07;
	v8 =	vmax.f32 v8, $1.258086400e+07  }
0xbe: {  	v13 =	vmin.f32 v6, $1.258496000e+07;
	v12 =	vmax.f32 v12, $1.258086400e+07;
	v8 =	vadd.f32 $-1.258086400e+07, v8  }
0xbf: {  	v11 =	vmax.f32 v11, $1.258086400e+07;
	v10 =	vmax.f32 v10, $1.258086400e+07;
	v12 =	vadd.f32 $-1.258086400e+07, v12  }
0xc0: {  	v13 =	vmax.f32 v13, $1.258086400e+07;
	v11 =	vadd.f32 $-1.258086400e+07, v11;
	v8 =	vtrunc.f32 v8  }
0xc1: {  	v10 =	vadd.f32 $-1.258086400e+07, v10;
	v12 =	vtrunc.f32 v12;
	v8 =	vcvt.f32.s32 v8  }
0xc2: {  	s31 =	simm.s32 $0x5140;
	v13 =	vadd.f32 $-1.258086400e+07, v13;
	v11 =	vtrunc.f32 v11;
	v12 =	vcvt.f32.s32 v12  }
0xc3: {  	v16 =	vld [tilespmem:s31+$0x0];
	v1 =	vmax.f32 v1, $1.255014400e+07;
	v10 =	vtrunc.f32 v10;
	v11 =	vcvt.f32.s32 v11  }
0xc4: {  	v14 =	vld [tilespmem:s31+$0xFFFFFFD0];
	v4 =	vmax.f32 v4, $1.255014400e+07;
	v13 =	vtrunc.f32 v13;
	v10 =	vcvt.f32.s32 v10  }
0xc5: {  	v17 =	vld [tilespmem:s31+$0xFFFFFFE0];
	v9 =	vmin.f32 v1, $1.258496000e+07;
	v15 =	vmin.f32 v4, $1.258496000e+07;
	v13 =	vcvt.f32.s32 v13  }
0xc6: {  	v19 =	vld [tilespmem:s31+$0xFFFFFFC0];
	v2 =	vadd.f32 $-1.258291200e+07, v2;
	v9 =	vmax.f32 v9, $1.258086400e+07;
	v15 =	vmax.f32 v15, $1.258086400e+07  }
0xc7: {  	v7 =	vmax.f32 v7, $1.255014400e+07;
	v9 =	vadd.f32 $-1.258086400e+07, v9;
	v15 =	vadd.f32 $-1.258086400e+07, v15;
	v8 =	vld.idx.msk [tilespmem:v8+s3+$0x0], $0xffff  }
0xc8: {  	v16 =	vmul.f32 $2.560000000e+02, v16;
	v18 =	vadd.f32 $-1.258291200e+07, v1;
	v1 =	vadd.f32 $-1.258291200e+07, v7;
	v12 =	vld.idx.msk [tilespmem:v12+s3+$0x0], $0xffff  }
0xc9: {  	v5 =	vadd.f32 $-1.258291200e+07, v5;
	v9 =	vtrunc.f32 v9;
	v15 =	vtrunc.f32 v15;
	v11 =	vld.idx.msk [tilespmem:v11+s3+$0x0], $0xffff  }
0xca: {  	v6 =	vadd.f32 $-1.258291200e+07, v6;
	v21 =	vcvt.f32.s32 v15;
	v15 =	vmul.f32 $2.560000000e+02, v17;
	v10 =	vld.idx.msk [tilespmem:v10+s3+$0x0], $0xffff  }
0xcb: {  	v9 =	vcvt.f32.s32 v9;
	v17 =	vadd.f32 $-1.258291200e+07, v0;
	v0 =	vmul.f32 $2.560000000e+02, v19;
	v13 =	vld.idx.msk [tilespmem:v13+s3+$0x0], $0xffff  }
0xcc: {  	v15 =	vadd.f32 $1.258291200e+07, v15;
	v8 =	vmul.f32 v2, v8;
	v2 =	vadd.f32 $-1.258291200e+07, v3  }
0xcd: {  	v19 =	vadd.f32 $1.258291200e+07, v0;
	v3 =	vadd.f32 $-1.258291200e+07, v4;
	v12 =	vmul.f32 v5, v12  }
0xce: {  	v5 =	vmin.f32 v7, $1.258496000e+07;
	v11 =	vmul.f32 v2, v11;
	v2 =	vadd.f32 $1.258291200e+07, v16;
	v16 =	vld [tilespmem:s31+$0x30]  }
0xcf: {  	v20 =	vld [tilespmem:s31+$0x10];
	v7 =	vmul.f32 $2.560000000e+02, v14;
	v10 =	vmul.f32 v17, v10;
	v5 =	vmax.f32 v5, $1.258086400e+07  }
0xd0: {  	v13 =	vmul.f32 v6, v13;
	v5 =	vadd.f32 $-1.258086400e+07, v5;
	v22 =	vadd.f32 $4.915200000e+04, v8  }
0xd1: {  	v4 =	vld [tilespmem:s31+$0xFFFFFFF0];
	v8 =	vmin.f32 v19, $1.261567900e+07;
	v7 =	vadd.f32 $1.258291200e+07, v7;
	v26 =	vadd.f32 $4.915200000e+04, v12  }
0xd2: {  	v12 =	vadd.f32 $4.915200000e+04, v10;
	v13 =	vadd.f32 $4.915200000e+04, v13;
	v23 =	vmax.f32 v8, $1.255014400e+07  }
0xd3: {  	v14 =	vmin.f32 v2, $1.261567900e+07;
	v2 =	vmin.f32 v15, $1.261567900e+07;
	v16 =	vmul.f32 $2.560000000e+02, v16  }
0xd4: {  	v15 =	vmul.f32 $2.560000000e+02, v20;
	v11 =	vadd.f32 $4.915200000e+04, v11;
	v7 =	vmin.f32 v7, $1.261567900e+07  }
0xd5: {  	v5 =	vtrunc.f32 v5;
	v8 =	vadd.f32 $1.258291200e+07, v16;
	v16 =	vmin.f32 v23, $1.258496000e+07  }
0xd6: {  	v4 =	vmul.f32 $2.560000000e+02, v4;
	v17 =	vadd.f32 $-4.915200000e+04, v11;
	v11 =	vmax.f32 v16, $1.258086400e+07  }
0xd7: {  	v22 =	vadd.f32 $-4.915200000e+04, v22;
	v0 =	vmax.f32 v14, $1.255014400e+07;
	v14 =	vld [tilespmem:s31+$0x20];
	v6 =	vadd.f32 $-1.258086400e+07, v11  }
0xd8: {  	v26 =	vadd.f32 $-4.915200000e+04, v26;
	v2 =	vmax.f32 v2, $1.255014400e+07;
	v4 =	vadd.f32 $1.258291200e+07, v4  }
0xd9: {  	v16 =	vmin.f32 v8, $1.261567900e+07;
	v8 =	vtrunc.f32 v6;
	v6 =	vmax.f32 v7, $1.255014400e+07  }
0xda: {  	v24 =	vcvt.f32.s32 v5;
	v4 =	vmin.f32 v4, $1.261567900e+07;
	v7 =	vld.idx.msk [tilespmem:v9+s3+$0x0], $0xffff;
	v9 =	vmin.f32 v6, $1.258496000e+07  }
0xdb: {  	v20 =	vmin.f32 v2, $1.258496000e+07;
	v4 =	vmax.f32 v4, $1.255014400e+07;
	v9 =	vmax.f32 v9, $1.258086400e+07  }
0xdc: {  	v11 =	vmul.f32 $2.560000000e+02, v14;
	v14 =	vmin.f32 v0, $1.258496000e+07;
	v9 =	vadd.f32 $-1.258086400e+07, v9  }
0xdd: {  	v25 =	vadd.f32 $1.258291200e+07, v15;
	v15 =	vmin.f32 v4, $1.258496000e+07;
	v14 =	vmax.f32 v14, $1.258086400e+07  }
0xde: {  	v5 =	vmax.f32 v16, $1.255014400e+07;
	v14 =	vadd.f32 $-1.258086400e+07, v14;
	v9 =	vtrunc.f32 v9  }
0xdf: {  	v27 =	vadd.f32 $1.258291200e+07, v11;
	v11 =	vcvt.f32.s32 v9;
	v9 =	vmax.f32 v15, $1.258086400e+07  }
0xe0: {  	v8 =	vcvt.f32.s32 v8;
	v15 =	vmul.f32 v18, v7;
	v18 =	vld.idx.msk [tilespmem:v21+s3+$0x0], $0xffff;
	v7 =	vadd.f32 $-1.258086400e+07, v9  }
0xe1: {  	s22 =	simm.s32 $0xD0C0;
	v19 =	vmin.f32 v5, $1.258496000e+07;
	v16 =	vtrunc.f32 v14;
	v9 =	vmax.f32 v20, $1.258086400e+07;
	v20 =	vld.idx.msk [tilespmem:v24+s3+$0x0], $0xffff  }
0xe2: {  	[tilespmem:s22+$0xFFFFFFC0] =	vst v22;
	v10 =	vmin.f32 v27, $1.261567900e+07;
	v9 =	vadd.f32 $-1.258086400e+07, v9;
	v7 =	vtrunc.f32 v7  }
0xe3: {  	s24 =	simm.s32 $0x8;
	[tilespmem:s22+$0xFFFFFFF0] =	vst v26;
	v21 =	vmin.f32 v25, $1.261567900e+07;
	v14 =	vcvt.f32.s32 v7;
	v7 =	vmax.f32 v10, $1.255014400e+07  }
0xe4: {  	s25 =	simm.s32 $0xD140;
	s26 =	simm.s32 $0x51C0;
	s23 =	simm.s32 $0xD140;
	[tilespmem:s22+$0xFFFFFFD0] =	vst v17;
	v10 =	vadd.f32 $-1.258291200e+07, v23;
	v17 =	vtrunc.f32 v9;
	v9 =	vmax.f32 v21, $1.255014400e+07  }
.LBB2_9:
0xe5: {  	v21 =	vld [tilespmem:s26+$0xFFFFFFD0];
	s24 =	sadd.s32 $0x8, s24;
	v19 =	vmax.f32 v19, $1.258086400e+07;
	s25 =	sadd.s32 $0x80, s25;
	v15 =	vadd.f32 $4.915200000e+04, v15;
	v12 =	vadd.f32 $-4.915200000e+04, v12  }
0xe6: {  	v22 =	vmin.f32 v9, $1.258496000e+07;
	v3 =	vmul.f32 v3, v18;
	v1 =	vmul.f32 v1, v20;
	p0 =	slt.u32 s24, $0x3F8;
	v8 =	vld.idx.msk [tilespmem:v8+s3+$0x0], $0xffff  }
0xe7: {  	v16 =	vcvt.f32.s32 v16;
	v18 =	vadd.f32 $-1.258086400e+07, v19;
	v11 =	vld.idx.msk [tilespmem:v11+s3+$0x0], $0xffff;
	v15 =	vadd.f32 $-4.915200000e+04, v15  }
0xe8: {  	v20 =	vmax.f32 v22, $1.258086400e+07;
	v3 =	vadd.f32 $4.915200000e+04, v3;
	v1 =	vadd.f32 $4.915200000e+04, v1;
	v19 =	vld [tilespmem:s26+$0x0];
	[tilespmem:s22+$0x0] =	vst v12  }
0xe9: {  	v13 =	vadd.f32 $-4.915200000e+04, v13;
	v20 =	vadd.f32 $-1.258086400e+07, v20;
	v18 =	vtrunc.f32 v18;
	v12 =	vld [tilespmem:s26+$0xFFFFFFE0];
	[tilespmem:s22+$0xFFFFFFE0] =	vst v15  }
0xea: {  	v15 =	vcvt.f32.s32 v18;
	v18 =	vadd.f32 $-4.915200000e+04, v3;
	v3 =	vadd.f32 $-4.915200000e+04, v1;
	v14 =	vld.idx.msk [tilespmem:v14+s3+$0x0], $0xffff  }
0xeb: {  	v23 =	vadd.f32 $-1.258291200e+07, v2;
	v2 =	vtrunc.f32 v20;
	v1 =	vadd.f32 $-1.258291200e+07, v7;
	v22 =	vld [tilespmem:s26+$0xFFFFFFF0];
	[tilespmem:s22+$0x30] =	vst v13  }
0xec: {  	v6 =	vadd.f32 $-1.258291200e+07, v6;
	v8 =	vmul.f32 v10, v8;
	v10 =	vcvt.f32.s32 v17;
	v13 =	vld [tilespmem:s26+$0xFFFFFFC0];
	[tilespmem:s22+$0x20] =	vst v3  }
0xed: {  	v3 =	vadd.f32 $-1.258291200e+07, v9;
	v9 =	vcvt.f32.s32 v2;
	v17 =	vmul.f32 $2.560000000e+02, v19;
	v19 =	vld [tilespmem:s26+$0x10];
	[tilespmem:s22+$0x10] =	vst v18;
	s22 =	smov.u32 s23;
	s23 =	smov.u32 s25  }
0xee: {  	v4 =	vadd.f32 $-1.258291200e+07, v4;
	v6 =	vmul.f32 v6, v11;
	v2 =	vmul.f32 $2.560000000e+02, v12;
	v11 =	vld.idx.msk [tilespmem:v16+s3+$0x0], $0xffff  }
0xef: {  	v5 =	vadd.f32 $-1.258291200e+07, v5;
	v12 =	vadd.f32 $1.258291200e+07, v17;
	v16 =	vld [tilespmem:s26+$0x20]  }
0xf0: {  	v14 =	vmul.f32 v4, v14;
	v4 =	vmin.f32 v7, $1.258496000e+07;
	v2 =	vadd.f32 $1.258291200e+07, v2;
	v17 =	vld [tilespmem:s26+$0x30]  }
0xf1: {  	v18 =	vadd.f32 $-1.258291200e+07, v0;
	v7 =	vmul.f32 $2.560000000e+02, v21;
	v12 =	vmin.f32 v12, $1.261567900e+07;
	v15 =	vld.idx.msk [tilespmem:v15+s3+$0x0], $0xffff  }
0xf2: {  	v0 =	vmul.f32 $2.560000000e+02, v13;
	v2 =	vmin.f32 v2, $1.261567900e+07;
	v13 =	vmul.f32 $2.560000000e+02, v19;
	v10 =	vld.idx.msk [tilespmem:v10+s3+$0x0], $0xffff  }
0xf3: {  	v4 =	vmax.f32 v4, $1.258086400e+07;
	v19 =	vmul.f32 $2.560000000e+02, v22;
	v2 =	vmax.f32 v2, $1.255014400e+07  }
0xf4: {  	v20 =	vadd.f32 $1.258291200e+07, v0;
	v0 =	vmax.f32 v12, $1.255014400e+07;
	v12 =	vadd.f32 $-1.258086400e+07, v4  }
0xf5: {  	v21 =	vmin.f32 v2, $1.258496000e+07;
	v4 =	vmul.f32 $2.560000000e+02, v17;
	v17 =	vadd.f32 $4.915200000e+04, v8  }
0xf6: {  	v6 =	vadd.f32 $4.915200000e+04, v6;
	v19 =	vadd.f32 $1.258291200e+07, v19;
	v8 =	vmin.f32 v20, $1.261567900e+07  }
0xf7: {  	v11 =	vmul.f32 v18, v11;
	v22 =	vmax.f32 v8, $1.255014400e+07;
	v8 =	vadd.f32 $1.258291200e+07, v4  }
0xf8: {  	v6 =	vadd.f32 $-4.915200000e+04, v6;
	v7 =	vadd.f32 $1.258291200e+07, v7;
	v4 =	vmin.f32 v22, $1.258496000e+07  }
0xf9: {  	v18 =	vmin.f32 v19, $1.261567900e+07;
	v24 =	vmul.f32 v5, v15;
	v4 =	vmax.f32 v4, $1.258086400e+07  }
0xfa: {  	v15 =	vmul.f32 $2.560000000e+02, v16;
	v5 =	vadd.f32 $-1.258086400e+07, v4;
	v4 =	vmax.f32 v18, $1.255014400e+07;
	[tilespmem:s22+$0xFFFFFFD0] =	vst v6  }
0xfb: {  	v16 =	vmin.f32 v8, $1.261567900e+07;
	v6 =	vmin.f32 v7, $1.261567900e+07;
	v7 =	vmin.f32 v0, $1.258496000e+07  }
0xfc: {  	v12 =	vtrunc.f32 v12;
	v5 =	vtrunc.f32 v5;
	v6 =	vmax.f32 v6, $1.255014400e+07  }
0xfd: {  	v20 =	vcvt.f32.s32 v12;
	v8 =	vcvt.f32.s32 v5;
	v5 =	vmin.f32 v6, $1.258496000e+07  }
0xfe: {  	v12 =	vmax.f32 v5, $1.258086400e+07;
	v5 =	vmax.f32 v16, $1.255014400e+07;
	v16 =	vadd.f32 $-4.915200000e+04, v17  }
0xff: {  	v7 =	vmax.f32 v7, $1.258086400e+07;
	v17 =	vadd.f32 $1.258291200e+07, v13;
	v12 =	vadd.f32 $-1.258086400e+07, v12  }
0x100: {  	v14 =	vadd.f32 $4.915200000e+04, v14;
	v7 =	vadd.f32 $-1.258086400e+07, v7;
	v13 =	vmin.f32 v4, $1.258496000e+07;
	[tilespmem:s22+$0xFFFFFFC0] =	vst v16  }
0x101: {  	v25 =	vadd.f32 $1.258291200e+07, v15;
	v16 =	vtrunc.f32 v12;
	v12 =	vadd.f32 $4.915200000e+04, v11  }
0x102: {  	v15 =	vmul.f32 v23, v10;
	v13 =	vmax.f32 v13, $1.258086400e+07;
	v11 =	vcvt.f32.s32 v16;
	v18 =	vld.idx.msk [tilespmem:v9+s3+$0x0], $0xffff  }
.Ltmp6:
0x103: {  	v19 =	vmin.f32 v5, $1.258496000e+07;
	v16 =	vtrunc.f32 v7;
	v9 =	vadd.f32 $-1.258086400e+07, v13;
	v20 =	vld.idx.msk [tilespmem:v20+s3+$0x0], $0xffff;
	(pc) =	sbr.rel @p0 .LBB2_9-.Ltmp6, $4  }
0x104: {  	v10 =	vmin.f32 v25, $1.261567900e+07;
	v7 =	vmax.f32 v21, $1.258086400e+07;
	v21 =	vadd.f32 $-4.915200000e+04, v14  }
0x105: {  	v23 =	vadd.f32 $-1.258086400e+07, v7;
	v13 =	vadd.f32 $4.915200000e+04, v24;
	v7 =	vtrunc.f32 v9  }
0x106: {  	v9 =	vmin.f32 v17, $1.261567900e+07;
	v14 =	vcvt.f32.s32 v7;
	v7 =	vmax.f32 v10, $1.255014400e+07  }
0x107: {  	s26 =	sadd.s32 $0x80, s26;
	v17 =	vtrunc.f32 v23;
	v10 =	vadd.f32 $-1.258291200e+07, v22;
	v9 =	vmax.f32 v9, $1.255014400e+07;
	[tilespmem:s22+$0xFFFFFFF0] =	vst v21  }
0x108: {  	v19 =	vmax.f32 v19, $1.258086400e+07  }
0x109: {  	v21 =	vmin.f32 v9, $1.258496000e+07;
	v3 =	vmul.f32 v3, v18;
	v47 =	vmin.f32 v7, $1.258496000e+07  }
0x10a: {  	v1 =	vmul.f32 v1, v20;
	v19 =	vadd.f32 $-1.258086400e+07, v19;
	v18 =	vmax.f32 v47, $1.258086400e+07  }
0x10b: {  	v16 =	vcvt.f32.s32 v16;
	v48 =	vmax.f32 v21, $1.258086400e+07;
	v18 =	vadd.f32 $-1.258086400e+07, v18  }
0x10c: {  	v17 =	vcvt.f32.s32 v17;
	v20 =	vadd.f32 $-1.258086400e+07, v48;
	v19 =	vtrunc.f32 v19  }
0x10d: {  	v19 =	vcvt.f32.s32 v19;
	v18 =	vtrunc.f32 v18  }
0x10e: {  	v15 =	vadd.f32 $4.915200000e+04, v15;
	v11 =	vld.idx.msk [tilespmem:v11+s3+$0x0], $0xffff;
	v20 =	vtrunc.f32 v20;
	v18 =	vcvt.f32.s32 v18  }
0x10f: {  	v12 =	vadd.f32 $-4.915200000e+04, v12;
	v8 =	vld.idx.msk [tilespmem:v8+s3+$0x0], $0xffff;
	v13 =	vadd.f32 $-4.915200000e+04, v13;
	v20 =	vcvt.f32.s32 v20  }
0x110: {  	v14 =	vld.idx.msk [tilespmem:v14+s3+$0x0], $0xffff;
	v6 =	vadd.f32 $-1.258291200e+07, v6;
	v2 =	vadd.f32 $-1.258291200e+07, v2  }
0x111: {  	v4 =	vadd.f32 $-1.258291200e+07, v4;
	v50 =	vadd.f32 $-1.258291200e+07, v7;
	v16 =	vld.idx.msk [tilespmem:v16+s3+$0x0], $0xffff  }
0x112: {  	v0 =	vadd.f32 $-1.258291200e+07, v0;
	v52 =	vadd.f32 $-1.258291200e+07, v9;
	v17 =	vld.idx.msk [tilespmem:v17+s3+$0x0], $0xffff  }
0x113: {  	v5 =	vadd.f32 $-1.258291200e+07, v5;
	v1 =	vadd.f32 $4.915200000e+04, v1;
	v6 =	vmul.f32 v6, v11;
	v49 =	vld.idx.msk [tilespmem:v19+s3+$0x0], $0xffff  }
0x114: {  	v15 =	vadd.f32 $-4.915200000e+04, v15;
	v3 =	vadd.f32 $4.915200000e+04, v3;
	[tilespmem:s22+$0x0] =	vst v12;
	v8 =	vmul.f32 v10, v8;
	v51 =	vld.idx.msk [tilespmem:v18+s3+$0x0], $0xffff  }
0x115: {  	[tilespmem:s22+$0x30] =	vst v13;
	v1 =	vadd.f32 $-4.915200000e+04, v1;
	v4 =	vmul.f32 v4, v14;
	v6 =	vadd.f32 $4.915200000e+04, v6;
	v53 =	vld.idx.msk [tilespmem:v20+s3+$0x0], $0xffff  }
0x116: {  	v3 =	vadd.f32 $-4.915200000e+04, v3;
	[tilespmem:s22+$0xFFFFFFE0] =	vst v15;
	v8 =	vadd.f32 $4.915200000e+04, v8;
	v0 =	vmul.f32 v0, v16  }
0x117: {  	[tilespmem:s22+$0x20] =	vst v1;
	v4 =	vadd.f32 $4.915200000e+04, v4;
	v54 =	vadd.f32 $-4.915200000e+04, v6;
	v2 =	vmul.f32 v2, v17  }
0x118: {  	[tilespmem:s22+$0x10] =	vst v3;
	v56 =	vadd.f32 $-4.915200000e+04, v8;
	v0 =	vadd.f32 $4.915200000e+04, v0;
	v55 =	vmul.f32 v5, v49  }
0x119: {  	v57 =	vadd.f32 $-4.915200000e+04, v4;
	[tilespmem:s23+$0xFFFFFFD0] =	vst v54;
	v2 =	vadd.f32 $4.915200000e+04, v2;
	v58 =	vmul.f32 v50, v51  }
0x11a: {  	[tilespmem:s23+$0xFFFFFFC0] =	vst v56;
	v0 =	vadd.f32 $-4.915200000e+04, v0;
	v59 =	vmul.f32 v52, v53;
	v3 =	vadd.f32 $4.915200000e+04, v55  }
0x11b: {  	[tilespmem:s23+$0xFFFFFFF0] =	vst v57;
	v60 =	vadd.f32 $-4.915200000e+04, v2;
	v61 =	vadd.f32 $4.915200000e+04, v58  }
0x11c: {  	p0 =	seq.s32 s20, $0x1F;
	[tilespmem:s23+$0x0] =	vst v0;
	v62 =	vadd.f32 $4.915200000e+04, v59;
	v3 =	vadd.f32 $-4.915200000e+04, v3  }
.Ltmp7:
0x11d: {  	[tilespmem:s23+$0xFFFFFFE0] =	vst v60;
	v63 =	vadd.f32 $-4.915200000e+04, v61;
	(pc) =	sbr.rel @p0 .LBB2_12-.Ltmp7, $4  }
0x11e: {  	v0 =	vadd.f32 $-4.915200000e+04, v62;
	[tilespmem:s23+$0x30] =	vst v3  }
0x11f: {  	s21 =	sor.u32 $0x800, s21;
	[tilespmem:s23+$0x20] =	vst v63  }
0x120: {  	s31 =	sadd.s32 s2, s21;
	[tilespmem:s23+$0x10] =	vst v0  }
0x121: {  	[hbm4b:s31+s3] =	stream.linear.scatter [tilespmem:s17], [sflag:$0x4], $0x4000, $0x38;
	[tilespmem:$0x11080] =	vst v63  }
.Ltmp8:
0x122: {  	(pc) =	sbr.rel .LBB2_2-.Ltmp8, $3  }
0x123: {  	_ =	sdelay $0x1  }
0x124: {  	s21 =	sadd.s32 s21, s8;
	s20 =	sadd.s32 $0x1, s20  }
0x125: {  	[tilespmem:s12], [sflag:$0x2] =	stream.linear.gather [hbm4b:s21+s3], $0x4000, $0x38;
	[tilespmem:$0x11080] =	vst v63  }
.LBB2_13:
0x126: {  	_ =	sfence.sel $0x180000  }
0x127: {  	[bflag:$0x0] =	sbarrier.arrive $0xFFFF  }
0x128: {  	p0 =	sne.s32 s1, $0x0;
	_ =	strace $0x90000047  }
0x129: {  	s0 =	sadd.s32 @!p0 $0x100000, s0;
	[bflag:$0x2] =	sbarrier.arrive $0xFFFF  }
0x12a: {  	[sflag:s0] =	ssyncadd.tile.s32 @!p0 $0x1;
	_ =	shalt  }
.Lfunc_end2:
_tile_overlayer_lowered:
.L_overlay_start_2:
0x12b: {  	(tag) =	ssettag $0x2  }
0x12c: {  	s0 =	rddreg [dreg:$0x0];
	s2 =	stileid.u32  }
0x12d: {  	s1 =	rddreg [dreg:$0x1];
	p0 =	sne.s32 s2, $0x0  }
0x12e: {  	s3 =	rddreg [dreg:$0x2];
	[bflag:$0x3] =	sbarrier.arrive $0xFFFF;
	s2 =	simm.s32 @!p0 $0x1C05  }
0x12f: {  	[timem:s3], [sflag:s2] =	dma.local @!p0 [hbm:s0], s1  }
0x130: {  	s0 =	simm.s32 @!p0 $0x5  }
0x131: {  	_ =	swait.ge @!p0 [sflag:s0], s1  }
0x132: {  	s1 =	ssub.s32 @!p0 $0x0, s1;
	[sflag:s0] =	ssyncset.done @!p0 $0x0  }
0x133: {  	[sflag:s0] =	ssyncadd.s32 @!p0 s1  }
0x134: {  	[bflag:$0x3] =	sbarrier.arrive $0xFFFF  }
0x135: {  	_ =	shalt  }

</sc_bundles>
